<compile_context>
chip_gen: v7x
topology: tpu7x:2x2x1
jax: 0.10.2.dev20260603
libtpu: 0.0.44.dev20260713+nightly
codegen_flags: <defaults>
</compile_context>

<pallas_src>
import jax
import jax.numpy as jnp
from jax import lax
from jax.experimental import pallas as pl
from jax.experimental.pallas import tpu as pltpu
from jax.experimental.pallas import tpu_sc as plsc

NC, NS, L = 2, 16, 16
NW = NC * NS
ROWS, V = 128, 100000
RPW = ROWS // NW
NB = 512
BIN_LO = -6.0
BINS_RANGE = 16.0
SCALE = NB / BINS_RANGE
BOFF = -BIN_LO * SCALE
CAPL = 160
CAND_CAP = L * CAPL
BISECT_ITERS = 24
TOPP = 0.9
NEG_SENTINEL = -1e30


def _topp_body(x_hbm, o_hbm, row_v, hist_v, cab_v, cv_v, ci_v, tau_ref):
    wid = lax.axis_index("s") * NC + lax.axis_index("c")
    lane = lax.iota(jnp.int32, L)
    lane_off = lane * NB
    zero_v = jnp.zeros((L,), jnp.float32)
    zero_i = jnp.zeros((L,), jnp.int32)
    sent_v = jnp.full((L,), NEG_SENTINEL, jnp.float32)
    scale_v = jnp.float32(SCALE)
    boff_v = jnp.float32(BOFF)

    def bucket(v):
        return jnp.clip((v * scale_v + boff_v).astype(jnp.int32), 0, NB - 1)

    def per_row(r, carry0):
        row_idx = wid * RPW + r
        pltpu.sync_copy(x_hbm.at[row_idx], row_v)

        @plsc.parallel_loop(0, L * NB, step=L, unroll=8)
        def _init_hist(i):
            hist_v[pl.ds(i, L)] = zero_v

        @plsc.parallel_loop(0, CAND_CAP + L, step=L, unroll=7)
        def _init_cand(i):
            cv_v[pl.ds(i, L)] = sent_v

        with jax.named_scope("passB_hist"):
            @plsc.parallel_loop(0, V, step=L, unroll=10)
            def _histb(i):
                v = row_v[pl.ds(i, L)]
                plsc.addupdate_scatter(
                    hist_v, [lane_off + bucket(v)], jnp.exp(v))

        def suffix(j, carry):
            jj = (NB // L) - 1 - j
            acc = hist_v[pl.ds(jj * L, L)]
            for ln in range(1, L):
                acc = acc + hist_v[pl.ds(ln * NB + jj * L, L)]
            rev = lax.rev(acc, (0,))
            cum = plsc.cumsum(rev)
            above_rev = carry + (cum - rev)
            cab_v[pl.ds(jj * L, L)] = lax.rev(above_rev, (0,))
            return carry + jnp.full((L,), jnp.sum(acc), jnp.float32)
        with jax.named_scope("passH_suffix"):
            z_v = lax.fori_loop(0, NB // L, suffix, zero_v)
        t_v = z_v * jnp.float32(TOPP)

        with jax.named_scope("passE_bstar"):
            @plsc.parallel_loop(0, NB, step=L, unroll=8, carry=zero_i)
            def bstar_v(j, cnt):
                cab = cab_v[pl.ds(j, L)]
                return cnt + plsc.all_reduce_population_count(cab >= t_v)
            bstar = jnp.max(bstar_v)
        w_above_v = jnp.full(
            (L,),
            jnp.max(plsc.load_gather(cab_v, [jnp.full((L,), bstar, jnp.int32)])),
            jnp.float32)

        bstar_vv = jnp.full((L,), bstar, jnp.int32)
        lim_v = (lane + 1) * CAPL - 1

        with jax.named_scope("passC_compact"):
            @plsc.parallel_loop(0, V, step=L, unroll=10, carry=lane * CAPL)
            def _offs(i, off_lane):
                v = row_v[pl.ds(i, L)]
                msk = (v * scale_v + boff_v).astype(jnp.int32) == bstar_vv
                plsc.store_scatter(cv_v, [off_lane], v, mask=msk)
                plsc.store_scatter(ci_v, [off_lane], i + lane, mask=msk)
                return jnp.minimum(off_lane + msk.astype(jnp.int32), lim_v)

        bf_v = bstar_vv.astype(jnp.float32)
        blo = (bf_v - 1.0 - boff_v) / scale_v
        bhi = (bf_v + 1.0 - boff_v) / scale_v

        def wsum(thr_v):
            @plsc.parallel_loop(0, CAND_CAP, step=L, unroll=8, carry=zero_v)
            def acc(i, a):
                v = cv_v[pl.ds(i, L)]
                return a + jnp.where(v > thr_v, jnp.exp(v), zero_v)
            return w_above_v + jnp.full((L,), jnp.sum(acc), jnp.float32)

        def bis(it, lohi):
            lo, hi = lohi
            mid = jnp.float32(0.5) * (lo + hi)
            pred = wsum(mid) < t_v
            return (jnp.where(pred, lo, mid), jnp.where(pred, mid, hi))
        with jax.named_scope("passF_bisect"):
            lo, _hi = lax.fori_loop(0, BISECT_ITERS, bis, (blo, bhi))

        @plsc.parallel_loop(0, CAND_CAP, step=L, unroll=8, carry=-sent_v)
        def cminv(i, acc):
            v = cv_v[pl.ds(i, L)]
            return jnp.minimum(acc, jnp.where(v > lo, v, -sent_v))
        c_v = jnp.full((L,), jnp.min(cminv), jnp.float32)
        f_c = wsum(c_v)
        p_c = jnp.exp(c_v)

        with jax.named_scope("passT_ties"):
            @plsc.parallel_loop(0, CAND_CAP, step=L, unroll=8, carry=zero_i)
            def ntie_v(i, a):
                return a + plsc.all_reduce_population_count(
                    cv_v[pl.ds(i, L)] == c_v)
            x_v = (t_v - f_c) / p_c
            kci = x_v.astype(jnp.int32)
            kc_v = kci + jnp.where(kci.astype(jnp.float32) < x_v, 1, 0)
            allkept = jnp.max((kc_v >= ntie_v).astype(jnp.int32)) > 0

            @pl.when(jnp.logical_not(allkept))
            def _tau_slow():
                big = jnp.full((L,), V + 1, jnp.int32)

                def ext(kk, tau_v):
                    @plsc.parallel_loop(0, CAND_CAP, step=L, unroll=8, carry=big)
                    def mn(i, a):
                        eq = cv_v[pl.ds(i, L)] == c_v
                        ci = ci_v[pl.ds(i, L)]
                        return jnp.minimum(
                            a, jnp.where(eq & (ci > tau_v), ci, big))
                    mnow = jnp.full((L,), jnp.min(mn), jnp.int32)
                    return jnp.where(kk < kc_v, mnow, tau_v)
                tau_v = lax.fori_loop(
                    0, 16, ext, jnp.full((L,), -1, jnp.int32))
                tau_ref[pl.ds(0, L)] = tau_v

        with jax.named_scope("passD_final"):
            @pl.when(allkept)
            def _fast():
                @plsc.parallel_loop(0, V, step=L, unroll=10)
                def _f(i):
                    v = row_v[pl.ds(i, L)]
                    row_v[pl.ds(i, L)] = jnp.where(v >= c_v, v, -jnp.inf)

            @pl.when(jnp.logical_not(allkept))
            def _slow():
                tie_v = tau_ref[pl.ds(0, L)]

                @plsc.parallel_loop(0, V, step=L, unroll=10)
                def _s(i):
                    v = row_v[pl.ds(i, L)]
                    idx = i + lane
                    keep = (v > c_v) | ((v == c_v) & (idx <= tie_v))
                    row_v[pl.ds(i, L)] = jnp.where(keep, v, -jnp.inf)
        with jax.named_scope("dma_out"):
            pltpu.sync_copy(row_v, o_hbm.at[row_idx])
        return carry0

    lax.fori_loop(0, RPW, per_row, 0)


@jax.jit
def _topp(logits):
    mesh = plsc.VectorSubcoreMesh(
        core_axis_name="c", subcore_axis_name="s",
        num_cores=NC, num_subcores=NS)
    return pl.kernel(
        _topp_body,
        out_type=jax.ShapeDtypeStruct((ROWS, V), jnp.float32),
        mesh=mesh,
        scratch_types=[
            pltpu.VMEM((V,), jnp.float32),
            pltpu.VMEM((L * NB,), jnp.float32),
            pltpu.VMEM((NB,), jnp.float32),
            pltpu.VMEM((CAND_CAP + L,), jnp.float32),
            pltpu.VMEM((CAND_CAP + L,), jnp.int32),
            pltpu.VMEM((L,), jnp.int32),
        ],
        compiler_params=pltpu.CompilerParams(needs_layout_passes=False),
    )(logits)


def kernel(logits):
    return _topp(logits)

# --- scband reference (transcript-rebuilt; emitter-appended) ---
"""Pipeline reference for scband-scene-script-wrapper-8753143349886 (READ-ONLY COPY).

The authoritative reference and input builder live on the scoring server;
editing this copy changes nothing except your own understanding.
"""

import jax, jax.numpy as jnp
import numpy as np

THRES = 0.9

def setup_inputs(seed: int = 0) -> dict:
    key = jax.random.key(seed)
    logits = jax.random.normal(key, (128, 100000), dtype=jnp.float32)
    return {"logits": logits}

def reference(logits):
    # Faithful translation of SceneScriptWrapper.top_p (nucleus sampling filter).
    # sorted_logits, sorted_indices = torch.sort(logits, descending=True)
    sorted_indices = jnp.argsort(-logits, axis=-1)
    sorted_logits = jnp.take_along_axis(logits, sorted_indices, axis=-1)
    # sorted_probs = softmax(sorted_logits); cum_probs = cumsum
    sorted_probs = jax.nn.softmax(sorted_logits, axis=-1)
    cum_probs = jnp.cumsum(sorted_probs, axis=-1)
    # sorted_indices_to_remove = cum_probs >= thres, shifted right by one, first col kept
    remove = cum_probs >= THRES
    remove = jnp.concatenate([jnp.zeros_like(remove[:, :1]), remove[:, :-1]], axis=-1)
    # sorted_logits[remove] = -inf
    filtered_sorted = jnp.where(remove, jnp.float32(-jnp.inf), sorted_logits)
    # scatter filtered sorted logits back to original vocab order:
    # out[b, sorted_indices[b, j]] = filtered_sorted[b, j]  (permutation scatter)
    inv_perm = jnp.argsort(sorted_indices, axis=-1)
    out = jnp.take_along_axis(filtered_sorted, inv_perm, axis=-1)
    return out

if __name__ == "__main__":
    import jax
    _d = setup_inputs()
    print(jax.jit(kernel)(*tuple(_d.values())))

</pallas_src>

<mosaic_0001>
#map = affine_map<(d0, d1) -> (0, 0)>
module attributes {stable_mosaic.version = 14 : i64} {
  func.func @_topp_body(%arg0: i32, %arg1: i32, %arg2: memref<128x100000xf32, #tpu.memory_space<hbm>>, %arg3: memref<128x100000xf32, #tpu.memory_space<hbm>>, %arg4: memref<100000xf32, #tpu.memory_space<vmem>>, %arg5: memref<8192xf32, #tpu.memory_space<vmem>>, %arg6: memref<512xf32, #tpu.memory_space<vmem>>, %arg7: memref<2576xf32, #tpu.memory_space<vmem>>, %arg8: memref<2576xi32, #tpu.memory_space<vmem>>, %arg9: memref<16xi32, #tpu.memory_space<vmem>>) attributes {dimension_semantics = [#tpu.dimension_semantics<core_parallel>, #tpu.dimension_semantics<subcore_parallel>], iteration_bounds = array<i64: 2, 16>, scalar_prefetch = 0 : i64, scratch_operands = 6 : i64, tpu.core_type = #tpu.core_type<sc_vector_subcore>, window_params = [{transform_indices = #map}, {transform_indices = #map}]} {
    %mul3A = arith.constant 2 : i32
    %mul3A_0 = arith.muli %arg1, %mul3A : i32
    %add3A = arith.addi %mul3A_0, %arg0 : i32
    %iota3A = tpu.iota {dimensions = array<i32: 0>} : vector<16xi32>
    %mul3A_1 = arith.constant 512 : i32
    %mul3A_2 = vector.broadcast %mul3A_1 : i32 to vector<16xi32>
    %mul3A_3 = arith.muli %iota3A, %mul3A_2 : vector<16xi32>
    %broadcast_in_dim3A = arith.constant 0.000000e+00 : f32
    %broadcast_in_dim3A_4 = vector.broadcast %broadcast_in_dim3A : f32 to vector<16xf32>
    %broadcast_in_dim3A_5 = arith.constant 0 : i32
    %broadcast_in_dim3A_6 = vector.broadcast %broadcast_in_dim3A_5 : i32 to vector<16xi32>
    %broadcast_in_dim3A_7 = arith.constant -1.000000e+30 : f32
    %broadcast_in_dim3A_8 = vector.broadcast %broadcast_in_dim3A_7 : f32 to vector<16xf32>
    %scan3A = arith.constant 0 : i32
    %scan3A_9 = arith.constant 3.200000e+01 : f32
    %scan3A_10 = arith.constant 1.920000e+02 : f32
    %scan3A_11 = arith.constant 0 : i32
    %scan3A_12 = arith.constant 4 : i32
    %scan3A_13 = arith.addi %scan3A_11, %scan3A_12 : i32
    %scan3A_14 = arith.constant 1 : i32
    scf.for %scan3A_16 = %scan3A_11 to %scan3A_13 step %scan3A_14  : i32 {
      %mul3A_17 = arith.constant 4 : i32
      %mul3A_18 = arith.muli %add3A, %mul3A_17 : i32
      %add3A_19 = arith.addi %mul3A_18, %scan3A_16 : i32
      "tpu.region"() ({
        %run_scoped3A = tpu.sem_alloc : memref<!tpu.dma_semaphore, #tpu.memory_space<semaphore_mem>>
        %dma_start3A = arith.constant 0 : i32
        %dma_start3A_141 = tpu.memref_slice %arg2[%add3A_19, %dma_start3A] : memref<128x100000xf32, #tpu.memory_space<hbm>> -> memref<1x100000xf32, #tpu.memory_space<hbm>>
        %dma_start3A_142 = tpu.memref_squeeze %dma_start3A_141 : memref<1x100000xf32, #tpu.memory_space<hbm>> -> memref<100000xf32, #tpu.memory_space<hbm>>
        %dma_start3A_143 = arith.constant 0 : i32
        %dma_start3A_144 = tpu.memref_slice %arg2[%add3A_19, %dma_start3A_143] : memref<128x100000xf32, #tpu.memory_space<hbm>> -> memref<1x100000xf32, #tpu.memory_space<hbm>>
        %dma_start3A_145 = tpu.memref_squeeze %dma_start3A_144 : memref<1x100000xf32, #tpu.memory_space<hbm>> -> memref<100000xf32, #tpu.memory_space<hbm>>
        tpu.enqueue_dma source(%dma_start3A_145 : memref<100000xf32, #tpu.memory_space<hbm>>) target(%arg4 : memref<100000xf32, #tpu.memory_space<vmem>>) target_semaphore(%run_scoped3A : memref<!tpu.dma_semaphore, #tpu.memory_space<semaphore_mem>>)
        %dma_wait3A = arith.constant 0 : i32
        %dma_wait3A_146 = tpu.memref_slice %arg2[%add3A_19, %dma_wait3A] : memref<128x100000xf32, #tpu.memory_space<hbm>> -> memref<1x100000xf32, #tpu.memory_space<hbm>>
        %dma_wait3A_147 = tpu.memref_squeeze %dma_wait3A_146 : memref<1x100000xf32, #tpu.memory_space<hbm>> -> memref<100000xf32, #tpu.memory_space<hbm>>
        %dma_wait3A_148 = arith.constant 0 : i32
        %dma_wait3A_149 = tpu.memref_slice %arg2[%add3A_19, %dma_wait3A_148] : memref<128x100000xf32, #tpu.memory_space<hbm>> -> memref<1x100000xf32, #tpu.memory_space<hbm>>
        %dma_wait3A_150 = tpu.memref_squeeze %dma_wait3A_149 : memref<1x100000xf32, #tpu.memory_space<hbm>> -> memref<100000xf32, #tpu.memory_space<hbm>>
        tpu.wait_dma2 semaphore(%run_scoped3A : memref<!tpu.dma_semaphore, #tpu.memory_space<semaphore_mem>>) src(%dma_wait3A_150 : memref<100000xf32, #tpu.memory_space<hbm>>) dst(%arg4 : memref<100000xf32, #tpu.memory_space<vmem>>)
        tpu.yield
      }) : () -> ()
      %parallel_loop3A = arith.constant 0 : i32
      %parallel_loop3A_20 = arith.constant 8192 : i32
      %parallel_loop3A_21 = arith.constant 16 : i32
      scf.for %parallel_loop3A_141 = %parallel_loop3A to %parallel_loop3A_20 step %parallel_loop3A_21  : i32 {
        %parallel_loop3A_142 = arith.index_cast %parallel_loop3A_141 : i32 to index
        %parallel_loop3A_143 = tpu.vector_load %arg5[%parallel_loop3A_142] {strides = array<i32>} : memref<8192xf32, #tpu.memory_space<vmem>>, vector<16xf32>,
        tpu.vector_store %arg5[%parallel_loop3A_142], %broadcast_in_dim3A_4 {strides = array<i32>} : memref<8192xf32, #tpu.memory_space<vmem>>, vector<16xf32>,
      } {sc.loop_unroll_factor = 8 : i64, sc.parallel_access}
      %parallel_loop3A_22 = arith.constant 0 : i32
      %parallel_loop3A_23 = arith.constant 2576 : i32
      %parallel_loop3A_24 = arith.constant 16 : i32
      scf.for %parallel_loop3A_141 = %parallel_loop3A_22 to %parallel_loop3A_23 step %parallel_loop3A_24  : i32 {
        %parallel_loop3A_142 = arith.index_cast %parallel_loop3A_141 : i32 to index
        %parallel_loop3A_143 = tpu.vector_load %arg7[%parallel_loop3A_142] {strides = array<i32>} : memref<2576xf32, #tpu.memory_space<vmem>>, vector<16xf32>,
        tpu.vector_store %arg7[%parallel_loop3A_142], %broadcast_in_dim3A_8 {strides = array<i32>} : memref<2576xf32, #tpu.memory_space<vmem>>, vector<16xf32>,
      } {sc.loop_unroll_factor = 7 : i64, sc.parallel_access}
      %parallel_loop3A_25 = arith.constant 0 : i32
      %parallel_loop3A_26 = arith.constant 100000 : i32
      %parallel_loop3A_27 = arith.constant 16 : i32
      "tpu.trace_start"() <{level = 10 : i32, message = "passB_hist"}> : () -> ()
      scf.for %parallel_loop3A_141 = %parallel_loop3A_25 to %parallel_loop3A_26 step %parallel_loop3A_27  : i32 {
        %parallel_loop3A_142 = arith.index_cast %parallel_loop3A_141 : i32 to index
        %parallel_loop3A_143 = tpu.vector_load %arg4[%parallel_loop3A_142] {strides = array<i32>} : memref<100000xf32, #tpu.memory_space<vmem>>, vector<16xf32>,
        %parallel_loop3A_144 = vector.broadcast %scan3A_9 : f32 to vector<16xf32>
        %parallel_loop3A_145 = arith.mulf %parallel_loop3A_143, %parallel_loop3A_144 : vector<16xf32>
        %parallel_loop3A_146 = vector.broadcast %scan3A_10 : f32 to vector<16xf32>
        %parallel_loop3A_147 = arith.addf %parallel_loop3A_145, %parallel_loop3A_146 : vector<16xf32>
        %parallel_loop3A_148 = arith.fptosi %parallel_loop3A_147 : vector<16xf32> to vector<16xi32>
        %parallel_loop3A_149 = arith.constant 0 : i32
        %parallel_loop3A_150 = arith.constant 511 : i32
        %parallel_loop3A_151 = vector.broadcast %parallel_loop3A_149 : i32 to vector<16xi32>
        %parallel_loop3A_152 = arith.maxsi %parallel_loop3A_151, %parallel_loop3A_148 : vector<16xi32>
        %parallel_loop3A_153 = vector.broadcast %parallel_loop3A_150 : i32 to vector<16xi32>
        %parallel_loop3A_154 = arith.minsi %parallel_loop3A_153, %parallel_loop3A_152 : vector<16xi32>
        %parallel_loop3A_155 = arith.addi %mul3A_3, %parallel_loop3A_154 : vector<16xi32>
        %parallel_loop3A_156 = math.exp %parallel_loop3A_143 : vector<16xf32>
        tpu.vector_store_idx %arg5[%parallel_loop3A_155], %parallel_loop3A_156 {add = true} : memref<8192xf32, #tpu.memory_space<vmem>>[vector<16xi32>], vector<16xf32>,
      } {sc.loop_unroll_factor = 10 : i64, sc.parallel_access}
      "tpu.trace_stop"() : () -> ()
      "tpu.trace_start"() <{level = 10 : i32, message = "passH_suffix"}> : () -> ()
      %scan3A_28 = arith.constant 0 : i32
      %scan3A_29 = arith.constant 32 : i32
      %scan3A_30 = arith.addi %scan3A_28, %scan3A_29 : i32
      %scan3A_31 = arith.constant 1 : i32
      %scan3A_32 = scf.for %scan3A_141 = %scan3A_28 to %scan3A_30 step %scan3A_31 iter_args(%scan3A_142 = %broadcast_in_dim3A_4) -> (vector<16xf32>)  : i32 {
        %sub3A_143 = arith.constant 31 : i32
        %sub3A_144 = arith.subi %sub3A_143, %scan3A_141 : i32
        %mul3A_145 = arith.constant 16 : i32
        %mul3A_146 = arith.muli %sub3A_144, %mul3A_145 : i32
        %get3A = arith.index_cast %mul3A_146 : i32 to index
        %get3A_147 = tpu.vector_load %arg5[%get3A] {strides = array<i32>} : memref<8192xf32, #tpu.memory_space<vmem>>, vector<16xf32>,
        %mul3A_148 = arith.constant 16 : i32
        %mul3A_149 = arith.muli %sub3A_144, %mul3A_148 : i32
        %add3A_150 = arith.constant 512 : i32
        %add3A_151 = arith.addi %add3A_150, %mul3A_149 : i32
        %get3A_152 = arith.index_cast %add3A_151 : i32 to index
        %get3A_153 = tpu.vector_load %arg5[%get3A_152] {strides = array<i32>} : memref<8192xf32, #tpu.memory_space<vmem>>, vector<16xf32>,
        %add3A_154 = arith.addf %get3A_147, %get3A_153 : vector<16xf32>
        %mul3A_155 = arith.constant 16 : i32
        %mul3A_156 = arith.muli %sub3A_144, %mul3A_155 : i32
        %add3A_157 = arith.constant 1024 : i32
        %add3A_158 = arith.addi %add3A_157, %mul3A_156 : i32
        %get3A_159 = arith.index_cast %add3A_158 : i32 to index
        %get3A_160 = tpu.vector_load %arg5[%get3A_159] {strides = array<i32>} : memref<8192xf32, #tpu.memory_space<vmem>>, vector<16xf32>,
        %add3A_161 = arith.addf %add3A_154, %get3A_160 : vector<16xf32>
        %mul3A_162 = arith.constant 16 : i32
        %mul3A_163 = arith.muli %sub3A_144, %mul3A_162 : i32
        %add3A_164 = arith.constant 1536 : i32
        %add3A_165 = arith.addi %add3A_164, %mul3A_163 : i32
        %get3A_166 = arith.index_cast %add3A_165 : i32 to index
        %get3A_167 = tpu.vector_load %arg5[%get3A_166] {strides = array<i32>} : memref<8192xf32, #tpu.memory_space<vmem>>, vector<16xf32>,
        %add3A_168 = arith.addf %add3A_161, %get3A_167 : vector<16xf32>
        %mul3A_169 = arith.constant 16 : i32
        %mul3A_170 = arith.muli %sub3A_144, %mul3A_169 : i32
        %add3A_171 = arith.constant 2048 : i32
        %add3A_172 = arith.addi %add3A_171, %mul3A_170 : i32
        %get3A_173 = arith.index_cast %add3A_172 : i32 to index
        %get3A_174 = tpu.vector_load %arg5[%get3A_173] {strides = array<i32>} : memref<8192xf32, #tpu.memory_space<vmem>>, vector<16xf32>,
        %add3A_175 = arith.addf %add3A_168, %get3A_174 : vector<16xf32>
        %mul3A_176 = arith.constant 16 : i32
        %mul3A_177 = arith.muli %sub3A_144, %mul3A_176 : i32
        %add3A_178 = arith.constant 2560 : i32
        %add3A_179 = arith.addi %add3A_178, %mul3A_177 : i32
        %get3A_180 = arith.index_cast %add3A_179 : i32 to index
        %get3A_181 = tpu.vector_load %arg5[%get3A_180] {strides = array<i32>} : memref<8192xf32, #tpu.memory_space<vmem>>, vector<16xf32>,
        %add3A_182 = arith.addf %add3A_175, %get3A_181 : vector<16xf32>
        %mul3A_183 = arith.constant 16 : i32
        %mul3A_184 = arith.muli %sub3A_144, %mul3A_183 : i32
        %add3A_185 = arith.constant 3072 : i32
        %add3A_186 = arith.addi %add3A_185, %mul3A_184 : i32
        %get3A_187 = arith.index_cast %add3A_186 : i32 to index
        %get3A_188 = tpu.vector_load %arg5[%get3A_187] {strides = array<i32>} : memref<8192xf32, #tpu.memory_space<vmem>>, vector<16xf32>,
        %add3A_189 = arith.addf %add3A_182, %get3A_188 : vector<16xf32>
        %mul3A_190 = arith.constant 16 : i32
        %mul3A_191 = arith.muli %sub3A_144, %mul3A_190 : i32
        %add3A_192 = arith.constant 3584 : i32
        %add3A_193 = arith.addi %add3A_192, %mul3A_191 : i32
        %get3A_194 = arith.index_cast %add3A_193 : i32 to index
        %get3A_195 = tpu.vector_load %arg5[%get3A_194] {strides = array<i32>} : memref<8192xf32, #tpu.memory_space<vmem>>, vector<16xf32>,
        %add3A_196 = arith.addf %add3A_189, %get3A_195 : vector<16xf32>
        %mul3A_197 = arith.constant 16 : i32
        %mul3A_198 = arith.muli %sub3A_144, %mul3A_197 : i32
        %add3A_199 = arith.constant 4096 : i32
        %add3A_200 = arith.addi %add3A_199, %mul3A_198 : i32
        %get3A_201 = arith.index_cast %add3A_200 : i32 to index
        %get3A_202 = tpu.vector_load %arg5[%get3A_201] {strides = array<i32>} : memref<8192xf32, #tpu.memory_space<vmem>>, vector<16xf32>,
        %add3A_203 = arith.addf %add3A_196, %get3A_202 : vector<16xf32>
        %mul3A_204 = arith.constant 16 : i32
        %mul3A_205 = arith.muli %sub3A_144, %mul3A_204 : i32
        %add3A_206 = arith.constant 4608 : i32
        %add3A_207 = arith.addi %add3A_206, %mul3A_205 : i32
        %get3A_208 = arith.index_cast %add3A_207 : i32 to index
        %get3A_209 = tpu.vector_load %arg5[%get3A_208] {strides = array<i32>} : memref<8192xf32, #tpu.memory_space<vmem>>, vector<16xf32>,
        %add3A_210 = arith.addf %add3A_203, %get3A_209 : vector<16xf32>
        %mul3A_211 = arith.constant 16 : i32
        %mul3A_212 = arith.muli %sub3A_144, %mul3A_211 : i32
        %add3A_213 = arith.constant 5120 : i32
        %add3A_214 = arith.addi %add3A_213, %mul3A_212 : i32
        %get3A_215 = arith.index_cast %add3A_214 : i32 to index
        %get3A_216 = tpu.vector_load %arg5[%get3A_215] {strides = array<i32>} : memref<8192xf32, #tpu.memory_space<vmem>>, vector<16xf32>,
        %add3A_217 = arith.addf %add3A_210, %get3A_216 : vector<16xf32>
        %mul3A_218 = arith.constant 16 : i32
        %mul3A_219 = arith.muli %sub3A_144, %mul3A_218 : i32
        %add3A_220 = arith.constant 5632 : i32
        %add3A_221 = arith.addi %add3A_220, %mul3A_219 : i32
        %get3A_222 = arith.index_cast %add3A_221 : i32 to index
        %get3A_223 = tpu.vector_load %arg5[%get3A_222] {strides = array<i32>} : memref<8192xf32, #tpu.memory_space<vmem>>, vector<16xf32>,
        %add3A_224 = arith.addf %add3A_217, %get3A_223 : vector<16xf32>
        %mul3A_225 = arith.constant 16 : i32
        %mul3A_226 = arith.muli %sub3A_144, %mul3A_225 : i32
        %add3A_227 = arith.constant 6144 : i32
        %add3A_228 = arith.addi %add3A_227, %mul3A_226 : i32
        %get3A_229 = arith.index_cast %add3A_228 : i32 to index
        %get3A_230 = tpu.vector_load %arg5[%get3A_229] {strides = array<i32>} : memref<8192xf32, #tpu.memory_space<vmem>>, vector<16xf32>,
        %add3A_231 = arith.addf %add3A_224, %get3A_230 : vector<16xf32>
        %mul3A_232 = arith.constant 16 : i32
        %mul3A_233 = arith.muli %sub3A_144, %mul3A_232 : i32
        %add3A_234 = arith.constant 6656 : i32
        %add3A_235 = arith.addi %add3A_234, %mul3A_233 : i32
        %get3A_236 = arith.index_cast %add3A_235 : i32 to index
        %get3A_237 = tpu.vector_load %arg5[%get3A_236] {strides = array<i32>} : memref<8192xf32, #tpu.memory_space<vmem>>, vector<16xf32>,
        %add3A_238 = arith.addf %add3A_231, %get3A_237 : vector<16xf32>
        %mul3A_239 = arith.constant 16 : i32
        %mul3A_240 = arith.muli %sub3A_144, %mul3A_239 : i32
        %add3A_241 = arith.constant 7168 : i32
        %add3A_242 = arith.addi %add3A_241, %mul3A_240 : i32
        %get3A_243 = arith.index_cast %add3A_242 : i32 to index
        %get3A_244 = tpu.vector_load %arg5[%get3A_243] {strides = array<i32>} : memref<8192xf32, #tpu.memory_space<vmem>>, vector<16xf32>,
        %add3A_245 = arith.addf %add3A_238, %get3A_244 : vector<16xf32>
        %mul3A_246 = arith.constant 16 : i32
        %mul3A_247 = arith.muli %sub3A_144, %mul3A_246 : i32
        %add3A_248 = arith.constant 7680 : i32
        %add3A_249 = arith.addi %add3A_248, %mul3A_247 : i32
        %get3A_250 = arith.index_cast %add3A_249 : i32 to index
        %get3A_251 = tpu.vector_load %arg5[%get3A_250] {strides = array<i32>} : memref<8192xf32, #tpu.memory_space<vmem>>, vector<16xf32>,
        %add3A_252 = arith.addf %add3A_245, %get3A_251 : vector<16xf32>
        %rev3A = arith.constant 15 : i32
        %rev3A_253 = vector.broadcast %rev3A : i32 to vector<16xi32>
        %rev3A_254 = tpu.iota {dimensions = array<i32: 0>} : vector<16xi32>
        %rev3A_255 = arith.subi %rev3A_253, %rev3A_254 : vector<16xi32>
        %rev3A_256 = tpu.dynamic_gather %add3A_252[%rev3A_255] in [0] : vector<16xf32>, vector<16xi32> -> vector<16xf32>
        %broadcast_in_dim3A_257 = arith.constant true
        %broadcast_in_dim3A_258 = vector.broadcast %broadcast_in_dim3A_257 : i1 to vector<16xi1>
        %masked_cumsum3A = tpu.scan <sum>, %rev3A_256 masked %broadcast_in_dim3A_258 : vector<16xf32>, vector<16xi1> -> vector<16xf32>
        %sub3A_259 = arith.subf %masked_cumsum3A, %rev3A_256 : vector<16xf32>
        %add3A_260 = arith.addf %scan3A_142, %sub3A_259 : vector<16xf32>
        %rev3A_261 = arith.constant 15 : i32
        %rev3A_262 = vector.broadcast %rev3A_261 : i32 to vector<16xi32>
        %rev3A_263 = tpu.iota {dimensions = array<i32: 0>} : vector<16xi32>
        %rev3A_264 = arith.subi %rev3A_262, %rev3A_263 : vector<16xi32>
        %rev3A_265 = tpu.dynamic_gather %add3A_260[%rev3A_264] in [0] : vector<16xf32>, vector<16xi32> -> vector<16xf32>
        %mul3A_266 = arith.constant 16 : i32
        %mul3A_267 = arith.muli %sub3A_144, %mul3A_266 : i32
        %swap3A = arith.index_cast %mul3A_267 : i32 to index
        %swap3A_268 = tpu.vector_load %arg6[%swap3A] {strides = array<i32>} : memref<512xf32, #tpu.memory_space<vmem>>, vector<16xf32>,
        tpu.vector_store %arg6[%swap3A], %rev3A_265 {strides = array<i32>} : memref<512xf32, #tpu.memory_space<vmem>>, vector<16xf32>,
        %reduce_sum3A_269 = arith.constant true
        %reduce_sum3A_270 = vector.broadcast %reduce_sum3A_269 : i1 to vector<16xi1>
        %reduce_sum3A_271 = tpu.scan <sum>, %add3A_252 masked %reduce_sum3A_270 : vector<16xf32>, vector<16xi1> -> vector<16xf32>
        %reduce_sum3A_272 = vector.extract %reduce_sum3A_271[15] : f32 from vector<16xf32>
        %broadcast_in_dim3A_273 = vector.broadcast %reduce_sum3A_272 : f32 to vector<16xf32>
        %add3A_274 = arith.addf %scan3A_142, %broadcast_in_dim3A_273 : vector<16xf32>
        scf.yield %add3A_274 : vector<16xf32>
      }
      %scan3A_33 = arith.constant 32 : i32
      "tpu.trace_stop"() : () -> ()
      %mul3A_34 = arith.constant 0.899999976 : f32
      %mul3A_35 = vector.broadcast %mul3A_34 : f32 to vector<16xf32>
      %mul3A_36 = arith.mulf %scan3A_32, %mul3A_35 : vector<16xf32>
      %parallel_loop3A_37 = arith.constant 0 : i32
      %parallel_loop3A_38 = arith.constant 512 : i32
      %parallel_loop3A_39 = arith.constant 16 : i32
      "tpu.trace_start"() <{level = 10 : i32, message = "passE_bstar"}> : () -> ()
      %parallel_loop3A_40 = scf.for %parallel_loop3A_141 = %parallel_loop3A_37 to %parallel_loop3A_38 step %parallel_loop3A_39 iter_args(%parallel_loop3A_142 = %broadcast_in_dim3A_6) -> (vector<16xi32>)  : i32 {
        %parallel_loop3A_143 = arith.index_cast %parallel_loop3A_141 : i32 to index
        %parallel_loop3A_144 = tpu.vector_load %arg6[%parallel_loop3A_143] {strides = array<i32>} : memref<512xf32, #tpu.memory_space<vmem>>, vector<16xf32>,
        %parallel_loop3A_145 = arith.cmpf oge, %parallel_loop3A_144, %mul3A_36 : vector<16xf32>
        %parallel_loop3A_146 = tpu.all_reduce %parallel_loop3A_145 {dim = 0 : i64, kind = #tpu.reduction_kind<sum>} : vector<16xi1> -> vector<16xi32>
        %parallel_loop3A_147 = arith.addi %parallel_loop3A_142, %parallel_loop3A_146 : vector<16xi32>
        scf.yield %parallel_loop3A_147 : vector<16xi32>
      } {sc.loop_unroll_factor = 8 : i64, sc.parallel_access}
      %reduce_max3A = arith.constant true
      %reduce_max3A_41 = vector.broadcast %reduce_max3A : i1 to vector<16xi1>
      %reduce_max3A_42 = arith.constant -2147483648 : i32
      %reduce_max3A_43 = vector.broadcast %reduce_max3A_42 : i32 to vector<16xi32>
      %reduce_max3A_44 = arith.xori %parallel_loop3A_40, %reduce_max3A_43 : vector<16xi32>
      %reduce_max3A_45 = tpu.scan <max>, %reduce_max3A_44 masked %reduce_max3A_41 : vector<16xi32>, vector<16xi1> -> vector<16xi32>
      %reduce_max3A_46 = arith.xori %reduce_max3A_45, %reduce_max3A_43 : vector<16xi32>
      %reduce_max3A_47 = vector.extract %reduce_max3A_46[15] : i32 from vector<16xi32>
      "tpu.trace_stop"() : () -> ()
      %broadcast_in_dim3A_48 = vector.broadcast %reduce_max3A_47 : i32 to vector<16xi32>
      %gather3A = tpu.vector_load_idx %arg6[%broadcast_in_dim3A_48] : memref<512xf32, #tpu.memory_space<vmem>>[vector<16xi32>], vector<16xf32>,
      %reduce_max3A_49 = arith.constant true
      %reduce_max3A_50 = vector.broadcast %reduce_max3A_49 : i1 to vector<16xi1>
      %reduce_max3A_51 = tpu.scan <max>, %gather3A masked %reduce_max3A_50 : vector<16xf32>, vector<16xi1> -> vector<16xf32>
      %reduce_max3A_52 = vector.extract %reduce_max3A_51[15] : f32 from vector<16xf32>
      %broadcast_in_dim3A_53 = vector.broadcast %reduce_max3A_52 : f32 to vector<16xf32>
      %broadcast_in_dim3A_54 = vector.broadcast %reduce_max3A_47 : i32 to vector<16xi32>
      %add3A_55 = arith.constant 1 : i32
      %add3A_56 = vector.broadcast %add3A_55 : i32 to vector<16xi32>
      %add3A_57 = arith.addi %iota3A, %add3A_56 : vector<16xi32>
      %mul3A_58 = arith.constant 160 : i32
      %mul3A_59 = vector.broadcast %mul3A_58 : i32 to vector<16xi32>
      %mul3A_60 = arith.muli %add3A_57, %mul3A_59 : vector<16xi32>
      %sub3A = arith.constant 1 : i32
      %sub3A_61 = vector.broadcast %sub3A : i32 to vector<16xi32>
      %sub3A_62 = arith.subi %mul3A_60, %sub3A_61 : vector<16xi32>
      "tpu.trace_start"() <{level = 10 : i32, message = "passC_compact"}> : () -> ()
      %mul3A_63 = arith.constant 160 : i32
      %mul3A_64 = vector.broadcast %mul3A_63 : i32 to vector<16xi32>
      %mul3A_65 = arith.muli %iota3A, %mul3A_64 : vector<16xi32>
      %parallel_loop3A_66 = arith.constant 0 : i32
      %parallel_loop3A_67 = arith.constant 100000 : i32
      %parallel_loop3A_68 = arith.constant 16 : i32
      %parallel_loop3A_69 = scf.for %parallel_loop3A_141 = %parallel_loop3A_66 to %parallel_loop3A_67 step %parallel_loop3A_68 iter_args(%parallel_loop3A_142 = %mul3A_65) -> (vector<16xi32>)  : i32 {
        %parallel_loop3A_143 = arith.index_cast %parallel_loop3A_141 : i32 to index
        %parallel_loop3A_144 = tpu.vector_load %arg4[%parallel_loop3A_143] {strides = array<i32>} : memref<100000xf32, #tpu.memory_space<vmem>>, vector<16xf32>,
        %parallel_loop3A_145 = vector.broadcast %scan3A_9 : f32 to vector<16xf32>
        %parallel_loop3A_146 = arith.mulf %parallel_loop3A_144, %parallel_loop3A_145 : vector<16xf32>
        %parallel_loop3A_147 = vector.broadcast %scan3A_10 : f32 to vector<16xf32>
        %parallel_loop3A_148 = arith.addf %parallel_loop3A_146, %parallel_loop3A_147 : vector<16xf32>
        %parallel_loop3A_149 = arith.fptosi %parallel_loop3A_148 : vector<16xf32> to vector<16xi32>
        %parallel_loop3A_150 = arith.cmpi eq, %parallel_loop3A_149, %broadcast_in_dim3A_54 : vector<16xi32>
        tpu.vector_store_idx %arg7[%parallel_loop3A_142], %parallel_loop3A_144 masked %parallel_loop3A_150 : memref<2576xf32, #tpu.memory_space<vmem>>[vector<16xi32>], vector<16xf32>, vector<16xi1>
        %parallel_loop3A_151 = vector.broadcast %parallel_loop3A_141 : i32 to vector<16xi32>
        %parallel_loop3A_152 = arith.addi %parallel_loop3A_151, %iota3A : vector<16xi32>
        tpu.vector_store_idx %arg8[%parallel_loop3A_142], %parallel_loop3A_152 masked %parallel_loop3A_150 : memref<2576xi32, #tpu.memory_space<vmem>>[vector<16xi32>], vector<16xi32>, vector<16xi1>
        %parallel_loop3A_153 = arith.extui %parallel_loop3A_150 : vector<16xi1> to vector<16xi32>
        %parallel_loop3A_154 = arith.addi %parallel_loop3A_142, %parallel_loop3A_153 : vector<16xi32>
        %parallel_loop3A_155 = arith.minsi %parallel_loop3A_154, %sub3A_62 : vector<16xi32>
        scf.yield %parallel_loop3A_155 : vector<16xi32>
      } {sc.loop_unroll_factor = 10 : i64, sc.parallel_access}
      "tpu.trace_stop"() : () -> ()
      %convert_element_type3A = arith.sitofp %broadcast_in_dim3A_54 : vector<16xi32> to vector<16xf32>
      %sub3A_70 = arith.constant 1.000000e+00 : f32
      %sub3A_71 = vector.broadcast %sub3A_70 : f32 to vector<16xf32>
      %sub3A_72 = arith.subf %convert_element_type3A, %sub3A_71 : vector<16xf32>
      %sub3A_73 = vector.broadcast %scan3A_10 : f32 to vector<16xf32>
      %sub3A_74 = arith.subf %sub3A_72, %sub3A_73 : vector<16xf32>
      %div3A = vector.broadcast %scan3A_9 : f32 to vector<16xf32>
      %div3A_75 = arith.divf %sub3A_74, %div3A : vector<16xf32>
      %add3A_76 = arith.constant 1.000000e+00 : f32
      %add3A_77 = vector.broadcast %add3A_76 : f32 to vector<16xf32>
      %add3A_78 = arith.addf %convert_element_type3A, %add3A_77 : vector<16xf32>
      %sub3A_79 = vector.broadcast %scan3A_10 : f32 to vector<16xf32>
      %sub3A_80 = arith.subf %add3A_78, %sub3A_79 : vector<16xf32>
      %div3A_81 = vector.broadcast %scan3A_9 : f32 to vector<16xf32>
      %div3A_82 = arith.divf %sub3A_80, %div3A_81 : vector<16xf32>
      "tpu.trace_start"() <{level = 10 : i32, message = "passF_bisect"}> : () -> ()
      %scan3A_83 = arith.constant 0 : i32
      %scan3A_84 = arith.constant 24 : i32
      %scan3A_85 = arith.addi %scan3A_83, %scan3A_84 : i32
      %scan3A_86 = arith.constant 1 : i32
      %scan3A_87:2 = scf.for %scan3A_141 = %scan3A_83 to %scan3A_85 step %scan3A_86 iter_args(%scan3A_142 = %div3A_75, %scan3A_143 = %div3A_82) -> (vector<16xf32>, vector<16xf32>)  : i32 {
        %add3A_144 = arith.addf %scan3A_142, %scan3A_143 : vector<16xf32>
        %mul3A_145 = arith.constant 5.000000e-01 : f32
        %mul3A_146 = vector.broadcast %mul3A_145 : f32 to vector<16xf32>
        %mul3A_147 = arith.mulf %mul3A_146, %add3A_144 : vector<16xf32>
        %parallel_loop3A_148 = arith.constant 0 : i32
        %parallel_loop3A_149 = arith.constant 2560 : i32
        %parallel_loop3A_150 = arith.constant 16 : i32
        %parallel_loop3A_151 = scf.for %parallel_loop3A_161 = %parallel_loop3A_148 to %parallel_loop3A_149 step %parallel_loop3A_150 iter_args(%parallel_loop3A_162 = %broadcast_in_dim3A_4) -> (vector<16xf32>)  : i32 {
          %parallel_loop3A_163 = arith.index_cast %parallel_loop3A_161 : i32 to index
          %parallel_loop3A_164 = tpu.vector_load %arg7[%parallel_loop3A_163] {strides = array<i32>} : memref<2576xf32, #tpu.memory_space<vmem>>, vector<16xf32>,
          %parallel_loop3A_165 = arith.cmpf ogt, %parallel_loop3A_164, %mul3A_147 : vector<16xf32>
          %parallel_loop3A_166 = math.exp %parallel_loop3A_164 : vector<16xf32>
          %parallel_loop3A_167 = arith.select %parallel_loop3A_165, %parallel_loop3A_166, %broadcast_in_dim3A_4 : vector<16xi1>, vector<16xf32>
          %parallel_loop3A_168 = arith.addf %parallel_loop3A_162, %parallel_loop3A_167 : vector<16xf32>
          scf.yield %parallel_loop3A_168 : vector<16xf32>
        } {sc.loop_unroll_factor = 8 : i64, sc.parallel_access}
        %reduce_sum3A_152 = arith.constant true
        %reduce_sum3A_153 = vector.broadcast %reduce_sum3A_152 : i1 to vector<16xi1>
        %reduce_sum3A_154 = tpu.scan <sum>, %parallel_loop3A_151 masked %reduce_sum3A_153 : vector<16xf32>, vector<16xi1> -> vector<16xf32>
        %reduce_sum3A_155 = vector.extract %reduce_sum3A_154[15] : f32 from vector<16xf32>
        %broadcast_in_dim3A_156 = vector.broadcast %reduce_sum3A_155 : f32 to vector<16xf32>
        %add3A_157 = arith.addf %broadcast_in_dim3A_53, %broadcast_in_dim3A_156 : vector<16xf32>
        %lt3A_158 = arith.cmpf olt, %add3A_157, %mul3A_36 : vector<16xf32>
        %select_n3A_159 = arith.select %lt3A_158, %scan3A_142, %mul3A_147 : vector<16xi1>, vector<16xf32>
        %select_n3A_160 = arith.select %lt3A_158, %mul3A_147, %scan3A_143 : vector<16xi1>, vector<16xf32>
        scf.yield %select_n3A_159, %select_n3A_160 : vector<16xf32>, vector<16xf32>
      }
      %scan3A_88 = arith.constant 24 : i32
      "tpu.trace_stop"() : () -> ()
      %neg3A = arith.constant 0.000000e+00 : f32
      %neg3A_89 = vector.broadcast %neg3A : f32 to vector<16xf32>
      %neg3A_90 = arith.subf %neg3A_89, %broadcast_in_dim3A_8 : vector<16xf32>
      %parallel_loop3A_91 = arith.constant 0 : i32
      %parallel_loop3A_92 = arith.constant 2560 : i32
      %parallel_loop3A_93 = arith.constant 16 : i32
      %parallel_loop3A_94 = scf.for %parallel_loop3A_141 = %parallel_loop3A_91 to %parallel_loop3A_92 step %parallel_loop3A_93 iter_args(%parallel_loop3A_142 = %neg3A_90) -> (vector<16xf32>)  : i32 {
        %parallel_loop3A_143 = arith.index_cast %parallel_loop3A_141 : i32 to index
        %parallel_loop3A_144 = tpu.vector_load %arg7[%parallel_loop3A_143] {strides = array<i32>} : memref<2576xf32, #tpu.memory_space<vmem>>, vector<16xf32>,
        %parallel_loop3A_145 = arith.cmpf ogt, %parallel_loop3A_144, %scan3A_87#0 : vector<16xf32>
        %parallel_loop3A_146 = arith.constant 0.000000e+00 : f32
        %parallel_loop3A_147 = vector.broadcast %parallel_loop3A_146 : f32 to vector<16xf32>
        %parallel_loop3A_148 = arith.subf %parallel_loop3A_147, %broadcast_in_dim3A_8 : vector<16xf32>
        %parallel_loop3A_149 = arith.select %parallel_loop3A_145, %parallel_loop3A_144, %parallel_loop3A_148 : vector<16xi1>, vector<16xf32>
        %parallel_loop3A_150 = arith.minimumf %parallel_loop3A_142, %parallel_loop3A_149 : vector<16xf32>
        scf.yield %parallel_loop3A_150 : vector<16xf32>
      } {sc.loop_unroll_factor = 8 : i64, sc.parallel_access}
      %reduce_min3A = arith.constant true
      %reduce_min3A_95 = vector.broadcast %reduce_min3A : i1 to vector<16xi1>
      %reduce_min3A_96 = tpu.scan <min>, %parallel_loop3A_94 masked %reduce_min3A_95 : vector<16xf32>, vector<16xi1> -> vector<16xf32>
      %reduce_min3A_97 = vector.extract %reduce_min3A_96[15] : f32 from vector<16xf32>
      %broadcast_in_dim3A_98 = vector.broadcast %reduce_min3A_97 : f32 to vector<16xf32>
      %parallel_loop3A_99 = arith.constant 0 : i32
      %parallel_loop3A_100 = arith.constant 2560 : i32
      %parallel_loop3A_101 = arith.constant 16 : i32
      %parallel_loop3A_102 = scf.for %parallel_loop3A_141 = %parallel_loop3A_99 to %parallel_loop3A_100 step %parallel_loop3A_101 iter_args(%parallel_loop3A_142 = %broadcast_in_dim3A_4) -> (vector<16xf32>)  : i32 {
        %parallel_loop3A_143 = arith.index_cast %parallel_loop3A_141 : i32 to index
        %parallel_loop3A_144 = tpu.vector_load %arg7[%parallel_loop3A_143] {strides = array<i32>} : memref<2576xf32, #tpu.memory_space<vmem>>, vector<16xf32>,
        %parallel_loop3A_145 = arith.cmpf ogt, %parallel_loop3A_144, %broadcast_in_dim3A_98 : vector<16xf32>
        %parallel_loop3A_146 = math.exp %parallel_loop3A_144 : vector<16xf32>
        %parallel_loop3A_147 = arith.select %parallel_loop3A_145, %parallel_loop3A_146, %broadcast_in_dim3A_4 : vector<16xi1>, vector<16xf32>
        %parallel_loop3A_148 = arith.addf %parallel_loop3A_142, %parallel_loop3A_147 : vector<16xf32>
        scf.yield %parallel_loop3A_148 : vector<16xf32>
      } {sc.loop_unroll_factor = 8 : i64, sc.parallel_access}
      %reduce_sum3A = arith.constant true
      %reduce_sum3A_103 = vector.broadcast %reduce_sum3A : i1 to vector<16xi1>
      %reduce_sum3A_104 = tpu.scan <sum>, %parallel_loop3A_102 masked %reduce_sum3A_103 : vector<16xf32>, vector<16xi1> -> vector<16xf32>
      %reduce_sum3A_105 = vector.extract %reduce_sum3A_104[15] : f32 from vector<16xf32>
      %broadcast_in_dim3A_106 = vector.broadcast %reduce_sum3A_105 : f32 to vector<16xf32>
      %add3A_107 = arith.addf %broadcast_in_dim3A_53, %broadcast_in_dim3A_106 : vector<16xf32>
      %exp3A = math.exp %broadcast_in_dim3A_98 : vector<16xf32>
      %parallel_loop3A_108 = arith.constant 0 : i32
      %parallel_loop3A_109 = arith.constant 2560 : i32
      %parallel_loop3A_110 = arith.constant 16 : i32
      "tpu.trace_start"() <{level = 10 : i32, message = "passT_ties"}> : () -> ()
      %parallel_loop3A_111 = scf.for %parallel_loop3A_141 = %parallel_loop3A_108 to %parallel_loop3A_109 step %parallel_loop3A_110 iter_args(%parallel_loop3A_142 = %broadcast_in_dim3A_6) -> (vector<16xi32>)  : i32 {
        %parallel_loop3A_143 = arith.index_cast %parallel_loop3A_141 : i32 to index
        %parallel_loop3A_144 = tpu.vector_load %arg7[%parallel_loop3A_143] {strides = array<i32>} : memref<2576xf32, #tpu.memory_space<vmem>>, vector<16xf32>,
        %parallel_loop3A_145 = arith.cmpf oeq, %parallel_loop3A_144, %broadcast_in_dim3A_98 : vector<16xf32>
        %parallel_loop3A_146 = tpu.all_reduce %parallel_loop3A_145 {dim = 0 : i64, kind = #tpu.reduction_kind<sum>} : vector<16xi1> -> vector<16xi32>
        %parallel_loop3A_147 = arith.addi %parallel_loop3A_142, %parallel_loop3A_146 : vector<16xi32>
        scf.yield %parallel_loop3A_147 : vector<16xi32>
      } {sc.loop_unroll_factor = 8 : i64, sc.parallel_access}
      %sub3A_112 = arith.subf %mul3A_36, %add3A_107 : vector<16xf32>
      %div3A_113 = arith.divf %sub3A_112, %exp3A : vector<16xf32>
      %convert_element_type3A_114 = arith.fptosi %div3A_113 : vector<16xf32> to vector<16xi32>
      %convert_element_type3A_115 = arith.sitofp %convert_element_type3A_114 : vector<16xi32> to vector<16xf32>
      %lt3A = arith.cmpf olt, %convert_element_type3A_115, %div3A_113 : vector<16xf32>
      %jit3A = arith.constant 1 : i32
      %jit3A_116 = arith.constant 0 : i32
      %broadcast_in_dim3A_117 = vector.broadcast %jit3A : i32 to vector<16xi32>
      %broadcast_in_dim3A_118 = vector.broadcast %jit3A_116 : i32 to vector<16xi32>
      %select_n3A = arith.select %lt3A, %broadcast_in_dim3A_117, %broadcast_in_dim3A_118 : vector<16xi1>, vector<16xi32>
      %add3A_119 = arith.addi %convert_element_type3A_114, %select_n3A : vector<16xi32>
      %ge3A = arith.cmpi sge, %add3A_119, %parallel_loop3A_111 : vector<16xi32>
      %convert_element_type3A_120 = arith.extui %ge3A : vector<16xi1> to vector<16xi32>
      %reduce_max3A_121 = arith.constant true
      %reduce_max3A_122 = vector.broadcast %reduce_max3A_121 : i1 to vector<16xi1>
      %reduce_max3A_123 = arith.constant -2147483648 : i32
      %reduce_max3A_124 = vector.broadcast %reduce_max3A_123 : i32 to vector<16xi32>
      %reduce_max3A_125 = arith.xori %convert_element_type3A_120, %reduce_max3A_124 : vector<16xi32>
      %reduce_max3A_126 = tpu.scan <max>, %reduce_max3A_125 masked %reduce_max3A_122 : vector<16xi32>, vector<16xi1> -> vector<16xi32>
      %reduce_max3A_127 = arith.xori %reduce_max3A_126, %reduce_max3A_124 : vector<16xi32>
      %reduce_max3A_128 = vector.extract %reduce_max3A_127[15] : i32 from vector<16xi32>
      %gt3A = arith.constant 0 : i32
      %gt3A_129 = arith.cmpi sgt, %reduce_max3A_128, %gt3A : i32
      %not3A = arith.constant true
      %not3A_130 = arith.xori %gt3A_129, %not3A : i1
      %convert_element_type3A_131 = arith.extui %not3A_130 : i1 to i32
      %cond3A = arith.constant 0 : i32
      %cond3A_132 = arith.cmpi ne, %convert_element_type3A_131, %cond3A : i32
      scf.if %cond3A_132 {
        %broadcast_in_dim3A_141 = arith.constant 100001 : i32
        %broadcast_in_dim3A_142 = vector.broadcast %broadcast_in_dim3A_141 : i32 to vector<16xi32>
        %broadcast_in_dim3A_143 = arith.constant -1 : i32
        %broadcast_in_dim3A_144 = vector.broadcast %broadcast_in_dim3A_143 : i32 to vector<16xi32>
        %scan3A_145 = arith.constant 0 : i32
        %scan3A_146 = arith.constant 16 : i32
        %scan3A_147 = arith.addi %scan3A_145, %scan3A_146 : i32
        %scan3A_148 = arith.constant 1 : i32
        %scan3A_149 = scf.for %scan3A_152 = %scan3A_145 to %scan3A_147 step %scan3A_148 iter_args(%scan3A_153 = %broadcast_in_dim3A_144) -> (vector<16xi32>)  : i32 {
          %parallel_loop3A_154 = arith.constant 0 : i32
          %parallel_loop3A_155 = arith.constant 2560 : i32
          %parallel_loop3A_156 = arith.constant 16 : i32
          %parallel_loop3A_157 = scf.for %parallel_loop3A_170 = %parallel_loop3A_154 to %parallel_loop3A_155 step %parallel_loop3A_156 iter_args(%parallel_loop3A_171 = %broadcast_in_dim3A_142) -> (vector<16xi32>)  : i32 {
            %parallel_loop3A_172 = arith.index_cast %parallel_loop3A_170 : i32 to index
            %parallel_loop3A_173 = tpu.vector_load %arg7[%parallel_loop3A_172] {strides = array<i32>} : memref<2576xf32, #tpu.memory_space<vmem>>, vector<16xf32>,
            %parallel_loop3A_174 = arith.cmpf oeq, %parallel_loop3A_173, %broadcast_in_dim3A_98 : vector<16xf32>
            %parallel_loop3A_175 = arith.index_cast %parallel_loop3A_170 : i32 to index
            %parallel_loop3A_176 = tpu.vector_load %arg8[%parallel_loop3A_175] {strides = array<i32>} : memref<2576xi32, #tpu.memory_space<vmem>>, vector<16xi32>,
            %parallel_loop3A_177 = arith.cmpi sgt, %parallel_loop3A_176, %scan3A_153 : vector<16xi32>
            %parallel_loop3A_178 = arith.andi %parallel_loop3A_174, %parallel_loop3A_177 : vector<16xi1>
            %parallel_loop3A_179 = arith.select %parallel_loop3A_178, %parallel_loop3A_176, %broadcast_in_dim3A_142 : vector<16xi1>, vector<16xi32>
            %parallel_loop3A_180 = arith.minsi %parallel_loop3A_171, %parallel_loop3A_179 : vector<16xi32>
            scf.yield %parallel_loop3A_180 : vector<16xi32>
          } {sc.loop_unroll_factor = 8 : i64, sc.parallel_access}
          %reduce_min3A_158 = arith.constant true
          %reduce_min3A_159 = vector.broadcast %reduce_min3A_158 : i1 to vector<16xi1>
          %reduce_min3A_160 = arith.constant -2147483648 : i32
          %reduce_min3A_161 = vector.broadcast %reduce_min3A_160 : i32 to vector<16xi32>
          %reduce_min3A_162 = arith.xori %parallel_loop3A_157, %reduce_min3A_161 : vector<16xi32>
          %reduce_min3A_163 = tpu.scan <min>, %reduce_min3A_162 masked %reduce_min3A_159 : vector<16xi32>, vector<16xi1> -> vector<16xi32>
          %reduce_min3A_164 = arith.xori %reduce_min3A_163, %reduce_min3A_161 : vector<16xi32>
          %reduce_min3A_165 = vector.extract %reduce_min3A_164[15] : i32 from vector<16xi32>
          %broadcast_in_dim3A_166 = vector.broadcast %reduce_min3A_165 : i32 to vector<16xi32>
          %lt3A_167 = vector.broadcast %scan3A_152 : i32 to vector<16xi32>
          %lt3A_168 = arith.cmpi slt, %lt3A_167, %add3A_119 : vector<16xi32>
          %select_n3A_169 = arith.select %lt3A_168, %broadcast_in_dim3A_166, %scan3A_153 : vector<16xi1>, vector<16xi32>
          scf.yield %select_n3A_169 : vector<16xi32>
        }
        %scan3A_150 = arith.constant 16 : i32
        %swap3A = arith.constant 0 : index
        %swap3A_151 = tpu.vector_load %arg9[%swap3A] {strides = array<i32>} : memref<16xi32, #tpu.memory_space<vmem>>, vector<16xi32>,
        tpu.vector_store %arg9[%swap3A], %scan3A_149 {strides = array<i32>} : memref<16xi32, #tpu.memory_space<vmem>>, vector<16xi32>,
      } else {
      }
      "tpu.trace_stop"() : () -> ()
      "tpu.trace_start"() <{level = 10 : i32, message = "passD_final"}> : () -> ()
      %convert_element_type3A_133 = arith.extui %gt3A_129 : i1 to i32
      %cond3A_134 = arith.constant 0 : i32
      %cond3A_135 = arith.cmpi ne, %convert_element_type3A_133, %cond3A_134 : i32
      scf.if %cond3A_135 {
        %parallel_loop3A_141 = arith.constant 0 : i32
        %parallel_loop3A_142 = arith.constant 100000 : i32
        %parallel_loop3A_143 = arith.constant 16 : i32
        scf.for %parallel_loop3A_144 = %parallel_loop3A_141 to %parallel_loop3A_142 step %parallel_loop3A_143  : i32 {
          %parallel_loop3A_145 = arith.index_cast %parallel_loop3A_144 : i32 to index
          %parallel_loop3A_146 = tpu.vector_load %arg4[%parallel_loop3A_145] {strides = array<i32>} : memref<100000xf32, #tpu.memory_space<vmem>>, vector<16xf32>,
          %parallel_loop3A_147 = arith.cmpf oge, %parallel_loop3A_146, %broadcast_in_dim3A_98 : vector<16xf32>
          %parallel_loop3A_148 = arith.constant 0xFF800000 : f32
          %parallel_loop3A_149 = vector.broadcast %parallel_loop3A_148 : f32 to vector<16xf32>
          %parallel_loop3A_150 = arith.select %parallel_loop3A_147, %parallel_loop3A_146, %parallel_loop3A_149 : vector<16xi1>, vector<16xf32>
          %parallel_loop3A_151 = arith.index_cast %parallel_loop3A_144 : i32 to index
          %parallel_loop3A_152 = tpu.vector_load %arg4[%parallel_loop3A_151] {strides = array<i32>} : memref<100000xf32, #tpu.memory_space<vmem>>, vector<16xf32>,
          tpu.vector_store %arg4[%parallel_loop3A_151], %parallel_loop3A_150 {strides = array<i32>} : memref<100000xf32, #tpu.memory_space<vmem>>, vector<16xf32>,
        } {sc.loop_unroll_factor = 10 : i64, sc.parallel_access}
      } else {
      }
      %not3A_136 = arith.constant true
      %not3A_137 = arith.xori %gt3A_129, %not3A_136 : i1
      %convert_element_type3A_138 = arith.extui %not3A_137 : i1 to i32
      %cond3A_139 = arith.constant 0 : i32
      %cond3A_140 = arith.cmpi ne, %convert_element_type3A_138, %cond3A_139 : i32
      scf.if %cond3A_140 {
        %get3A = arith.constant 0 : index
        %get3A_141 = tpu.vector_load %arg9[%get3A] {strides = array<i32>} : memref<16xi32, #tpu.memory_space<vmem>>, vector<16xi32>,
        %parallel_loop3A_142 = arith.constant 0 : i32
        %parallel_loop3A_143 = arith.constant 100000 : i32
        %parallel_loop3A_144 = arith.constant 16 : i32
        scf.for %parallel_loop3A_145 = %parallel_loop3A_142 to %parallel_loop3A_143 step %parallel_loop3A_144  : i32 {
          %parallel_loop3A_146 = arith.index_cast %parallel_loop3A_145 : i32 to index
          %parallel_loop3A_147 = tpu.vector_load %arg4[%parallel_loop3A_146] {strides = array<i32>} : memref<100000xf32, #tpu.memory_space<vmem>>, vector<16xf32>,
          %parallel_loop3A_148 = vector.broadcast %parallel_loop3A_145 : i32 to vector<16xi32>
          %parallel_loop3A_149 = arith.addi %parallel_loop3A_148, %iota3A : vector<16xi32>
          %parallel_loop3A_150 = arith.cmpf ogt, %parallel_loop3A_147, %broadcast_in_dim3A_98 : vector<16xf32>
          %parallel_loop3A_151 = arith.cmpf oeq, %parallel_loop3A_147, %broadcast_in_dim3A_98 : vector<16xf32>
          %parallel_loop3A_152 = arith.cmpi sle, %parallel_loop3A_149, %get3A_141 : vector<16xi32>
          %parallel_loop3A_153 = arith.andi %parallel_loop3A_151, %parallel_loop3A_152 : vector<16xi1>
          %parallel_loop3A_154 = arith.ori %parallel_loop3A_150, %parallel_loop3A_153 : vector<16xi1>
          %parallel_loop3A_155 = arith.constant 0xFF800000 : f32
          %parallel_loop3A_156 = vector.broadcast %parallel_loop3A_155 : f32 to vector<16xf32>
          %parallel_loop3A_157 = arith.select %parallel_loop3A_154, %parallel_loop3A_147, %parallel_loop3A_156 : vector<16xi1>, vector<16xf32>
          %parallel_loop3A_158 = arith.index_cast %parallel_loop3A_145 : i32 to index
          %parallel_loop3A_159 = tpu.vector_load %arg4[%parallel_loop3A_158] {strides = array<i32>} : memref<100000xf32, #tpu.memory_space<vmem>>, vector<16xf32>,
          tpu.vector_store %arg4[%parallel_loop3A_158], %parallel_loop3A_157 {strides = array<i32>} : memref<100000xf32, #tpu.memory_space<vmem>>, vector<16xf32>,
        } {sc.loop_unroll_factor = 10 : i64, sc.parallel_access}
      } else {
      }
      "tpu.trace_stop"() : () -> ()
      "tpu.trace_start"() <{level = 10 : i32, message = "dma_out"}> : () -> ()
      "tpu.region"() ({
        %run_scoped3A = tpu.sem_alloc : memref<!tpu.dma_semaphore, #tpu.memory_space<semaphore_mem>>
        %dma_start3A = arith.constant 0 : i32
        %dma_start3A_141 = tpu.memref_slice %arg3[%add3A_19, %dma_start3A] : memref<128x100000xf32, #tpu.memory_space<hbm>> -> memref<1x100000xf32, #tpu.memory_space<hbm>>
        %dma_start3A_142 = tpu.memref_squeeze %dma_start3A_141 : memref<1x100000xf32, #tpu.memory_space<hbm>> -> memref<100000xf32, #tpu.memory_space<hbm>>
        %dma_start3A_143 = arith.constant 0 : i32
        %dma_start3A_144 = tpu.memref_slice %arg3[%add3A_19, %dma_start3A_143] : memref<128x100000xf32, #tpu.memory_space<hbm>> -> memref<1x100000xf32, #tpu.memory_space<hbm>>
        %dma_start3A_145 = tpu.memref_squeeze %dma_start3A_144 : memref<1x100000xf32, #tpu.memory_space<hbm>> -> memref<100000xf32, #tpu.memory_space<hbm>>
        tpu.enqueue_dma source(%arg4 : memref<100000xf32, #tpu.memory_space<vmem>>) target(%dma_start3A_145 : memref<100000xf32, #tpu.memory_space<hbm>>) target_semaphore(%run_scoped3A : memref<!tpu.dma_semaphore, #tpu.memory_space<semaphore_mem>>)
        %dma_wait3A = arith.constant 0 : i32
        %dma_wait3A_146 = tpu.memref_slice %arg3[%add3A_19, %dma_wait3A] : memref<128x100000xf32, #tpu.memory_space<hbm>> -> memref<1x100000xf32, #tpu.memory_space<hbm>>
        %dma_wait3A_147 = tpu.memref_squeeze %dma_wait3A_146 : memref<1x100000xf32, #tpu.memory_space<hbm>> -> memref<100000xf32, #tpu.memory_space<hbm>>
        %dma_wait3A_148 = arith.constant 0 : i32
        %dma_wait3A_149 = tpu.memref_slice %arg3[%add3A_19, %dma_wait3A_148] : memref<128x100000xf32, #tpu.memory_space<hbm>> -> memref<1x100000xf32, #tpu.memory_space<hbm>>
        %dma_wait3A_150 = tpu.memref_squeeze %dma_wait3A_149 : memref<1x100000xf32, #tpu.memory_space<hbm>> -> memref<100000xf32, #tpu.memory_space<hbm>>
        tpu.wait_dma2 semaphore(%run_scoped3A : memref<!tpu.dma_semaphore, #tpu.memory_space<semaphore_mem>>) src(%arg4 : memref<100000xf32, #tpu.memory_space<vmem>>) dst(%dma_wait3A_150 : memref<100000xf32, #tpu.memory_space<hbm>>)
        tpu.yield
      }) : () -> ()
      "tpu.trace_stop"() : () -> ()
    }
    %scan3A_15 = arith.constant 4 : i32
    return
  }
}

</mosaic_0001>

<sc_bundles>
// kernel: _topp.3.cloned.1.call-start
scs
__scs_entry_jumppad:
0x0: {  	(pc) =	sbr.rel $0x88, $3  }
0x1: {  	(tag) =	ssettag $0x0;
	lr =	simm.s32 $0x1  }
0x2: {  	[smem:$0x3FA0] =	sst lr;
	_ =	strace $0xD0000000  }
0x3: {  	_ = 	snop  }
0x4: {  	_ = 	snop  }
0x5: {  	_ = 	snop  }
0x6: {  	_ = 	snop  }
0x7: {  	_ = 	snop  }
__scs_overlays_trampoline_lowered:
0x8: {  	[smem:$0x3FAF] =	sst s0  }
0x9: {  	[smem:$0x3FB0] =	sst s1  }
0xa: {  	[smem:$0x3FB1] =	sst s2  }
0xb: {  	[smem:$0x3FB2] =	sst s3  }
0xc: {  	[smem:$0x3FB3] =	sst s4  }
0xd: {  	[smem:$0x3FB4] =	sst s5  }
0xe: {  	[smem:$0x3FB5] =	sst s6  }
0xf: {  	[smem:$0x3FB6] =	sst s7  }
0x10: {  	[smem:$0x3FB7] =	sst s8  }
0x11: {  	[smem:$0x3FB8] =	sst s9;
	s0 =	simm.s32 @!p0 $0x0  }
0x12: {  	s1 =	sld [smem:$0x3F9E];
	s0 =	simm.s32 @p0 $0x1  }
0x13: {  	[smem:$0x3FB9] =	sst s0;
	s0 =	simm.s32 @!p1 $0x0  }
0x14: {  	s2 =	sld [smem:$0x3F9D];
	s0 =	simm.s32 @p1 $0x1  }
0x15: {  	[smem:$0x3FBA] =	sst s0;
	s0 =	simm.s32 @!p2 $0x0  }
0x16: {  	s3 =	sld [smem:$0x3FDB];
	s0 =	simm.s32 @p2 $0x1  }
0x17: {  	s4 =	simm.s32 $0x1BF5;
	[smem:$0x3FBC] =	sst s0  }
0x18: {  	s0 =	sld [smem:$0x3F9F];
	_ =	swait.ge [sflag:s4], $0x0  }
0x19: {  	s7 =	sld [smem:$0x3FA0]  }
0x1a: {  	s8 =	sadd.s32 $0xFFFFE003, lr  }
0x1b: {  	s9 =	sadd.s32 $0xFFFFFEF7, lr;
	s5 =	simm.s32 $0xFFFFFFFF;
	p2 =	slt.u32 s8, $0xFFFFF086  }
0x1c: {  	p1 =	slt.u32 s9, $0xF7A;
	s5 =	simm.s32 @!p2 $0x0  }
0x1d: {  	s5 =	simm.s32 @p1 $0x1;
	p0 =	seq.s32 s7, s2  }
0x1e: {  	s7 =	smul.u32 @!p0 $0xF7A, s2;
	p2 =	seq.s32 @!p0 s5, $0x0  }
0x1f: {  	s9 =	smul.u32 $0xF7A, s1;
	s8 =	simm.s32 @!p0 $0x1BF5;
	p2 =	por !p2, p0  }
0x20: {  	[sflag:s8] =	ssyncset.s32 @!p0 $0xFFFFF086;
	s6 =	sadd.s32 @!p0 s3, s7;
	s7 =	simm.s32 @!p0 $0x108  }
0x21: {  	s3 =	sadd.s32 s3, s9;
	s6 =	sadd.s32 @!p0 $0x88, s6;
	s7 =	simm.s32 @p2 $0x1082  }
0x22: {  	[simem:s7], [sflag:s8] =	dma.local @!p0 [hbm:s6], $0xF7A  }
0x23: {  	s9 =	sor.u32 $0xD0000000, s2;
	s6 =	simm.s32 $0x108;
	_ =	swait.ge @!p0 [sflag:s8], $0x0  }
0x24: {  	s3 =	sadd.s32 $0x88, s3;
	s6 =	simm.s32 @!p1 $0x1082;
	[sflag:s4] =	ssyncset.s32 $0xFFFFF086  }
0x25: {  	[simem:s6], [sflag:s4] =	dma.local [hbm:s3], $0xF7A  }
0x26: {  	[smem:$0x3FA0] =	sst s1;
	(tag) =	ssettag s2;
	_ =	strace s9  }
0x27: {  	s1 =	sld [smem:$0x3FB0]  }
0x28: {  	s2 =	sld [smem:$0x3FB1]  }
0x29: {  	s4 =	sld [smem:$0x3FB3]  }
0x2a: {  	p0 =	seq.s32 s5, $0x0;
	s5 =	sld [smem:$0x3FB4]  }
0x2b: {  	s6 =	sld [smem:$0x3FB5]  }
0x2c: {  	s7 =	sld [smem:$0x3FB6]  }
0x2d: {  	s3 =	simm.s32 $0x108;
	s8 =	sld [smem:$0x3FB7]  }
0x2e: {  	s3 =	simm.s32 @!p0 $0x1082;
	s9 =	sld [smem:$0x3FB8]  }
0x2f: {  	lr =	sadd.s32 s0, s3;
	s0 =	sld [smem:$0x3FAF]  }
0x30: {  	s3 =	sld [smem:$0x3FB2]  }
0x31: {  	[smem:$0x3FBB] =	sst s10  }
0x32: {  	s10 =	sld [smem:$0x3FB9];
	_ =	sdelay $0x3  }
0x33: {  	p0 =	seq.s32 s10, $0x1;
	s10 =	sld [smem:$0x3FBB];
	_ =	sdelay $0x3  }
0x34: {  	[smem:$0x3FBB] =	sst s10  }
0x35: {  	s10 =	sld [smem:$0x3FBA];
	_ =	sdelay $0x3  }
0x36: {  	p1 =	seq.s32 s10, $0x1;
	s10 =	sld [smem:$0x3FBB];
	_ =	sdelay $0x3  }
0x37: {  	[smem:$0x3FBB] =	sst s10  }
0x38: {  	s10 =	sld [smem:$0x3FBC]  }
0x39: {  	_ = 	snop;
	(pc) =	sbr.ind lr, $3  }
0x3a: {  	_ = 	snop  }
0x3b: {  	_ = 	snop  }
0x3c: {  	p2 =	seq.s32 s10, $0x1;
	s10 =	sld [smem:$0x3FBB]  }
0x3d: {  	_ =	shalt  }
0x3e: {  	_ =	shalt  }
0x3f: {  	_ =	shalt  }
0x40: {  	_ =	shalt  }
0x41: {  	_ =	shalt  }
0x42: {  	_ =	shalt  }
0x43: {  	_ =	shalt  }
0x44: {  	_ =	shalt  }
0x45: {  	_ =	shalt  }
0x46: {  	_ =	shalt  }
0x47: {  	_ =	shalt  }
0x48: {  	_ =	shalt  }
0x49: {  	_ =	shalt  }
0x4a: {  	_ =	shalt  }
0x4b: {  	_ =	shalt  }
0x4c: {  	_ =	shalt  }
0x4d: {  	_ =	shalt  }
0x4e: {  	_ =	shalt  }
0x4f: {  	_ =	shalt  }
0x50: {  	_ =	shalt  }
0x51: {  	_ =	shalt  }
0x52: {  	_ =	shalt  }
0x53: {  	_ =	shalt  }
0x54: {  	_ =	shalt  }
0x55: {  	_ =	shalt  }
0x56: {  	_ =	shalt  }
0x57: {  	_ =	shalt  }
0x58: {  	_ =	shalt  }
0x59: {  	_ =	shalt  }
0x5a: {  	_ =	shalt  }
0x5b: {  	_ =	shalt  }
0x5c: {  	_ =	shalt  }
0x5d: {  	_ =	shalt  }
0x5e: {  	_ =	shalt  }
0x5f: {  	_ =	shalt  }
0x60: {  	_ =	shalt  }
0x61: {  	_ =	shalt  }
0x62: {  	_ =	shalt  }
0x63: {  	_ =	shalt  }
0x64: {  	_ =	shalt  }
0x65: {  	_ =	shalt  }
0x66: {  	_ =	shalt  }
0x67: {  	_ =	shalt  }
0x68: {  	_ =	shalt  }
0x69: {  	_ =	shalt  }
0x6a: {  	_ =	shalt  }
0x6b: {  	_ =	shalt  }
0x6c: {  	_ =	shalt  }
0x6d: {  	_ =	shalt  }
0x6e: {  	_ =	shalt  }
0x6f: {  	_ =	shalt  }
0x70: {  	_ =	shalt  }
0x71: {  	_ =	shalt  }
0x72: {  	_ =	shalt  }
0x73: {  	_ =	shalt  }
0x74: {  	_ =	shalt  }
0x75: {  	_ =	shalt  }
0x76: {  	_ =	shalt  }
0x77: {  	_ =	shalt  }
0x78: {  	_ =	shalt  }
0x79: {  	_ =	shalt  }
0x7a: {  	_ =	shalt  }
0x7b: {  	_ =	shalt  }
0x7c: {  	_ =	shalt  }
0x7d: {  	_ =	shalt  }
0x7e: {  	_ =	shalt  }
0x7f: {  	_ =	shalt  }
0x80: {  	_ =	shalt  }
0x81: {  	_ =	shalt  }
0x82: {  	_ =	shalt  }
0x83: {  	_ =	shalt  }
0x84: {  	_ =	shalt  }
0x85: {  	_ =	shalt  }
0x86: {  	_ =	shalt  }
0x87: {  	_ =	shalt  }
.Lfunc_end0:
.L_simem_size_0:
called_computation_lowered:
.L_overlay_start_0:
0x88: {  	s2 =	sld [smem:$0x3FD9]  }
0x89: {  	s3 =	sld [smem:$0x3FFE];
	_ =	sdelay $0x1  }
0x8a: {  	s1 =	srdreg.scid  }
0x8b: {  	s0 =	sand.u32 $0x1, s1  }
0x8c: {  	s16 =	sshll.u32 s0, $0xA;
	s2 =	sadd.s32 s3, s2  }
0x8d: {  	s2 =	sadd.s32 s2, s16  }
0x8e: {  	[smem:$0x3FC7] =	sst s2  }
0x8f: {  	_ = 	snop  }
0x90: {  	(tm) =	ssettm $0x1  }
0x91: {  	s17 =	sld [smem:$0x3FFB];
	_ =	sdelay $0x3  }
0x92: {  	_ =	strace s17  }
0x93: {  	s2 =	sld [smem:$0x3FFC];
	_ =	sdelay $0x3  }
0x94: {  	_ =	strace s2  }
0x95: {  	s2 =	sld [smem:$0x3FFD];
	_ =	sdelay $0x3  }
0x96: {  	_ =	strace s2  }
0x97: {  	_ =	strace $0x8FFFFFFF  }
0x98: {  	s18 =	sld [smem:$0x3FDB];
	_ =	sdelay $0x1  }
0x99: {  	s19 =	simm.s32 $_scs_section_size  }
0x9a: {  	s4 =	simm.s32 $_size__tile_overlayer_lowered;
	s5 =	simm.s32 $_tile_overlayer_lowered  }
0x9b: {  	s22 =	simm.s32 $0x1BFF;
	s21 =	sshll.u32 s5, $0x1;
	s2 =	sadd.s32 s19, s18  }
0x9c: {  	s6 =	simm.s32 $0x0;
	s20 =	sshll.u32 s4, $0x1;
	s4 =	sadd.s32 s21, s2  }
0x9d: {  	[timem:s6], [sflag:s22] =	dma.local [hbm:s4], s20  }
0x9e: {  	_ =	swait.ge [sflag:s22], s20  }
0x9f: {  	s3 =	ssub.s32 $0x0, s20;
	[sflag:s22] =	ssyncset.done $0x0  }
0xa0: {  	[sflag:s22] =	ssyncadd.s32 s3;
	_ =	sdelay $0x1  }
0xa1: {  	s23 =	simm.s32 $0x1B8B  }
0xa2: {  	_ =	swait.ge [sflag:s23], $0x1  }
0xa3: {  	[sflag:s23] =	ssyncset.done $0x0  }
0xa4: {  	s25 =	simm.s32 $0x1B8E;
	s24 =	sld [smem:$0x3FFE];
	[sflag:s23] =	ssyncadd.s32 $0xFFFFFFFF  }
0xa5: {  	s26 =	simm.s32 $execute0_lowered;
	[smem:$0x3FD2] =	sst s25  }
0xa6: {  	s4 =	sshll.u32 s26, $0x1;
	_ =	strace $0x80000046;
	[dreg:$0x1] =	wrdreg $0xFFFFFFFF  }
0xa7: {  	s28 =	simm.s32 $_size_execute0_lowered;
	s2 =	sadd.s32 s2, s4;
	[dreg:$0x0] =	wrdreg $0x0  }
0xa8: {  	s4 =	sshll.u32 s28, $0x1;
	[dreg:$0x2] =	wrdreg s2  }
0xa9: {  	[dreg:$0x3] =	wrdreg s4  }
0xaa: {  	[dreg:$0x4] =	wrdreg $0xC0  }
0xab: {  	_ =	task [dreg:s6], $0x5FFFF  }
0xac: {  	[dreg:$0x1] =	wrdreg $0xFFFFFFFF  }
0xad: {  	[dreg:$0x0] =	wrdreg $0x60  }
0xae: {  	[dreg:$0x2] =	wrdreg s24  }
0xaf: {  	[dreg:$0x3] =	wrdreg $0x9  }
0xb0: {  	_ =	task.clear_ibuf [dreg:s6], $0x4FFFF;
	_ =	strace $0x90000046  }
0xb1: {  	s29 =	simm.s32 $0x9;
	_ =	strace $0x80000050  }
0xb2: {  	_ =	swait.ge [sflag:s29], $0x1  }
0xb3: {  	[sflag:s29] =	ssyncadd.s32 $0xFFFFFFFF  }
0xb4: {  	_ =	strace $0x90000050  }
0xb5: {  	_ =	sfence  }
0xb6: {  	s30 =	sld [smem:$0x0];
	_ =	sdelay $0x2  }
0xb7: {  	s31 =	sshll.u32 s1, $0xD;
	s1 =	sshrl.u32 s1, $0x2  }
0xb8: {  	s3 =	sand.u32 $0x4000, s31;
	s1 =	sadd.s32 s1, s30  }
0xb9: {  	s0 =	sor.u32 s3, s0;
	s1 =	sshll.u32 s1, $0x11  }
0xba: {  	s0 =	sor.u32 s1, s0  }
0xbb: {  	s0 =	sadd.s32 $0x8F2B, s0  }
0xbc: {  	[sflag:s0] =	ssyncadd.remote.s32 $0x1  }
0xbd: {  	_ =	sfence.sel $0xFFFF  }
0xbe: {  	[dreg:$0x0] =	wrdreg $0xFFFFFFFF;
	(pc) =	sbr.abs _section_cstart, $3  }
0xbf: {  	[dreg:$0x1] =	wrdreg $0xFFFFFFFF  }
0xc0: {  	_ =	task.clear_ibuf [dreg:s6], $0x2FFFF;
	_ =	strace $0x9FFFFFFF  }
0xc1: {  	(tm) =	ssettm $0x7FFFFFFF  }
tec
execute0_lowered:
.L_overlay_start_1:
0x0: {  	(tag) =	ssettag $0x1  }
0x1: {  	s4 =	rddreg [dreg:$0x0];
	s1 =	simm.s32 $0x0  }
0x2: {  	[smem:$0x7FF] =	sst s1  }
0x3: {  	s0 =	rddreg [dreg:$0x1];
	v0 =	vimm.f32 $3.200000000e+01;
	_ =	strace $0x80000047  }
0x4: {  	(erf) = vrcp.f32 v0;
	_ =	sdelay $0x2  }
0x5: {  	s3 =	srdreg.scid;
	s2 =	stileid.u32;
	s9 =	simm.s32 $0x1  }
0x6: {  	s10 =	simm.s32 $0x18700;
	s11 =	simm.s32 $0x1A700;
	s12 =	simm.s32 $0x1A900  }
.Ltmp0:
0x7: {  	s13 =	simm.s32 $0x1B380;
	s5 =	sand.u32 $0x1, s3;
	(pc) =	sbr.rel .LBB2_1-.Ltmp0, $4  }
0x8: {  	s14 =	simm.s32 $0x0;
	s7 =	smul.u32 $0xC3800, s2;
	s6 =	ssub.s32 $0x2, s5;
	v0 =	vlaneseq.u32  }
0x9: {  	s3 =	sadd.s32 $0x400, s4;
	s5 =	sshll.u32 s5, $0x9;
	s8 =	sshrl.u32 s6, $0x1;
	v6 =	vmul.u32 $0xFFFFFFFF, v0;
	v1 =	vmul.u32 $0xA0, v0  }
0xa: {  	v2 =	vimm.f32 $0.0e+00;
	v3 =	vimm.f32 $-1.000000020e+30;
	v7 =	vimm.s32 $0x0;
	s4 =	sadd.s32 $0x187400, s4;
	s5 =	sor.u32 s7, s5;
	s6 =	ssub.s32 s6, s8  }
0xb: {  	s7 =	simm.s32 $0x80;
	s8 =	simm.s32 $0x400;
	v4 =	vmul.u32 $0x200, v0;
	s6 =	smax.u32 s6, $0x1;
	v6 =	vadd.s32 $0xF, v6;
	v8 =	vadd.s32 $0x9F, v1;
	v5 =	vpop (erf)  }
.LBB2_37:
0xc: {  	s14 =	sadd.s32 $0x1, s14  }
0xd: {  	p0 =	sne.s32 s14, s6  }
.Ltmp1:
0xe: {  	_ = 	snop;
	(pc) =	sbr.rel @!p0 .LBB2_38-.Ltmp1, $1  }
0xf: {  	_ =	sdelay $0x3  }
.LBB2_1:
.Ltmp2:
0x10: {  	(pc) =	sbr.rel .LBB2_2-.Ltmp2, $2  }
0x11: {  	_ =	sdelay $0x2  }
0x12: {  	s15 =	simm.s32 $0x0  }
.LBB2_36:
0x13: {  	_ =	strace $0x9000004E;
	s15 =	sadd.s32 $0x1, s15  }
0x14: {  	s16 =	sadd.s32 s4, s16;
	_ =	strace $0x8000004F;
	p0 =	sne.s32 s15, $0x4  }
0x15: {  	[hbm4b:s16+s7] =	stream.strided.scatter [tilespmem:s1], [sflag:$0x1], $0x18700, s8, s7, $0x200038;
	[tilespmem:$0x1BE80] =	vst v63  }
.Ltmp3:
0x16: {  	_ = 	snop;
	(pc) =	sbr.rel @!p0 .LBB2_37-.Ltmp3, $4  }
0x17: {  	_ =	swait.ge [sflag:s9], $0x18700  }
0x18: {  	[sflag:s9] =	ssyncset.done $0x0  }
0x19: {  	[sflag:s9] =	ssyncadd.s32 $0xFFFE7900  }
0x1a: {  	_ =	strace $0x9000004F  }
.LBB2_2:
0x1b: {  	s16 =	sshll.u32 s15, $0x7  }
0x1c: {  	s16 =	sadd.s32 s5, s16  }
0x1d: {  	s16 =	sshrl.u32 s16, $0x3  }
0x1e: {  	s17 =	sadd.s32 s3, s16  }
0x1f: {  	[tilespmem:s1], [sflag:$0x1] =	stream.strided.gather [hbm4b:s17+s7], $0x18700, s8, s7, $0x38;
	[tilespmem:$0x1BE80] =	vst v63  }
0x20: {  	_ =	swait.ge [sflag:s9], $0x18700  }
0x21: {  	[sflag:s9] =	ssyncset.done $0x0  }
0x22: {  	s18 =	simm.s32 $0x18740;
	[sflag:s9] =	ssyncadd.s32 $0xFFFE7900  }
0x23: {  	[tilespmem:s18+$0xFFFFFFC0] =	vst v2  }
0x24: {  	[tilespmem:s18+$0x30] =	vst v2  }
0x25: {  	[tilespmem:s18+$0x20] =	vst v2  }
0x26: {  	[tilespmem:s18+$0x10] =	vst v2  }
0x27: {  	[tilespmem:s18+$0x0] =	vst v2  }
0x28: {  	[tilespmem:s18+$0xFFFFFFF0] =	vst v2  }
0x29: {  	s19 =	simm.s32 $0x0;
	s17 =	simm.s32 $0x1A930;
	[tilespmem:s18+$0xFFFFFFE0] =	vst v2  }
.LBB2_3:
0x2a: {  	s19 =	sadd.s32 $0x80, s19;
	[tilespmem:s18+$0xFFFFFFD0] =	vst v2;
	s18 =	sadd.s32 $0x80, s18  }
0x2b: {  	[tilespmem:s18+$0xFFFFFFC0] =	vst v2;
	p0 =	slt.u32 s19, $0x1F80  }
0x2c: {  	[tilespmem:s18+$0x30] =	vst v2  }
.Ltmp4:
0x2d: {  	[tilespmem:s18+$0x20] =	vst v2;
	(pc) =	sbr.rel @p0 .LBB2_3-.Ltmp4, $4  }
0x2e: {  	[tilespmem:s18+$0x10] =	vst v2  }
0x2f: {  	[tilespmem:s18+$0x0] =	vst v2  }
0x30: {  	[tilespmem:s18+$0xFFFFFFF0] =	vst v2  }
0x31: {  	[tilespmem:s18+$0xFFFFFFE0] =	vst v2  }
0x32: {  	[tilespmem:s18+$0xFFFFFFD0] =	vst v2  }
0x33: {  	[tilespmem:s17+$0xFFFFFFD0] =	vst v3  }
0x34: {  	[tilespmem:s17+$0x30] =	vst v3  }
0x35: {  	[tilespmem:s17+$0x20] =	vst v3  }
0x36: {  	[tilespmem:s17+$0x10] =	vst v3  }
0x37: {  	[tilespmem:s17+$0x0] =	vst v3  }
0x38: {  	s18 =	simm.s32 $0x0;
	[tilespmem:s17+$0xFFFFFFF0] =	vst v3  }
.LBB2_5:
0x39: {  	s18 =	sadd.s32 $0x70, s18;
	[tilespmem:s17+$0xFFFFFFE0] =	vst v3;
	s17 =	sadd.s32 $0x70, s17  }
0x3a: {  	[tilespmem:s17+$0xFFFFFFD0] =	vst v3;
	p0 =	slt.u32 s18, $0x9A0  }
.Ltmp5:
0x3b: {  	[tilespmem:s17+$0x30] =	vst v3;
	(pc) =	sbr.rel @p0 .LBB2_5-.Ltmp5, $4  }
0x3c: {  	[tilespmem:s17+$0x20] =	vst v3  }
0x3d: {  	[tilespmem:s17+$0x10] =	vst v3  }
0x3e: {  	[tilespmem:s17+$0x0] =	vst v3  }
0x3f: {  	[tilespmem:s17+$0xFFFFFFF0] =	vst v3  }
0x40: {  	[tilespmem:s17+$0xFFFFFFE0] =	vst v3  }
0x41: {  	s18 =	simm.s32 $0x50;
	_ =	strace $0x80000048  }
0x42: {  	s17 =	simm.s32 $0x0;
	v11 =	vld [tilespmem:s18+$0x10]  }
0x43: {  	s19 =	sand.u32 $0x1FFE0, s17;
	v9 =	vld [tilespmem:s18+$0xFFFFFFD0]  }
0x44: {  	v12 =	vld [tilespmem:s19+$0x80]  }
0x45: {  	v13 =	vld [tilespmem:s18+$0xFFFFFFC0]  }
0x46: {  	v14 =	vld [tilespmem:s18+$0xFFFFFFB0]  }
0x47: {  	v10 =	vld [tilespmem:s18+$0xFFFFFFE0]  }
0x48: {  	v15 =	vmul.f32 $1.442695020e+00, v9  }
0x49: {  	v17 =	vld [tilespmem:s18+$0x40];
	v16 =	vmul.f32 $3.200000000e+01, v11;
	v18 =	vmul.f32 $3.200000000e+01, v12  }
0x4a: {  	v24 =	vld [tilespmem:s18+$0x0];
	v19 =	vmul.f32 $3.200000000e+01, v13;
	v20 =	vmul.f32 $1.442695020e+00, v13  }
0x4b: {  	v21 =	vld [tilespmem:s18+$0x20];
	v13 =	vmul.f32 $3.200000000e+01, v9;
	v22 =	vmul.f32 $3.200000000e+01, v14  }
0x4c: {  	v23 =	vmul.f32 $3.200000000e+01, v10;
	v14 =	vmul.f32 $1.442695020e+00, v14  }
0x4d: {  	v11 =	vmul.f32 $1.442695020e+00, v11;
	v25 =	vadd.f32 $1.920000000e+02, v13;
	(erf) = vpow2.f32 v15  }
0x4e: {  	v13 =	vmul.f32 $1.442695020e+00, v12;
	v12 =	vmul.f32 $3.200000000e+01, v17;
	v15 =	vadd.f32 $1.920000000e+02, v16  }
0x4f: {  	v9 =	vld [tilespmem:s18+$0xFFFFFFF0];
	v16 =	vadd.f32 $1.920000000e+02, v22;
	v22 =	vmul.f32 $3.200000000e+01, v24;
	v17 =	vmul.f32 $1.442695020e+00, v17  }
0x50: {  	v19 =	vadd.f32 $1.920000000e+02, v19;
	(erf) = vpow2.f32 v20;
	v20 =	vmul.f32 $3.200000000e+01, v21  }
0x51: {  	v18 =	vadd.f32 $1.920000000e+02, v18;
	v21 =	vmul.f32 $1.442695020e+00, v21;
	v25 =	vtrunc.f32 v25  }
0x52: {  	v15 =	vtrunc.f32 v15;
	v16 =	vtrunc.f32 v16  }
0x53: {  	v19 =	vtrunc.f32 v19;
	v18 =	vtrunc.f32 v18  }
0x54: {  	v12 =	vadd.f32 $1.920000000e+02, v12;
	v26 =	vmul.f32 $3.200000000e+01, v9;
	(erf) = vpow2.f32 v21  }
0x55: {  	v27 =	vadd.f32 $1.920000000e+02, v22;
	v28 =	vcvt.f32.s32 v16;
	v22 =	vcvt.f32.s32 v19  }
0x56: {  	v20 =	vadd.f32 $1.920000000e+02, v20;
	(erf) = vpow2.f32 v11;
	v11 =	vcvt.f32.s32 v25  }
0x57: {  	v21 =	vadd.f32 $1.920000000e+02, v23;
	v12 =	vtrunc.f32 v12;
	v25 =	vtrunc.f32 v27  }
0x58: {  	v23 =	vadd.f32 $1.920000000e+02, v26;
	v26 =	vcvt.f32.s32 v15;
	v20 =	vtrunc.f32 v20  }
0x59: {  	v15 =	vmul.f32 $1.442695020e+00, v24;
	v21 =	vtrunc.f32 v21  }
0x5a: {  	(erf) = vpow2.f32 v14;
	vm1 =	vgt.s32 v22, $0x0;
	vm2 =	vgt.s32 v28, $0x0  }
0x5b: {  	v24 =	vcvt.f32.s32 v12;
	vm0 =	vgt.s32 v26, $0x0;
	v16 =	vtrunc.f32 v23  }
0x5c: {  	v19 =	vnsel vm0, $0x0, v26;
	v16 =	vcvt.f32.s32 v16;
	v26 =	vcvt.f32.s32 v18  }
0x5d: {  	v18 =	vcvt.f32.s32 v20;
	v20 =	vnsel vm2, $0x0, v28;
	vm2 =	vgt.s32 v11, $0x0  }
0x5e: {  	v19 =	vmin.u32 v19, $0x1FF;
	v20 =	vmin.u32 v20, $0x1FF;
	v27 =	vnsel vm2, $0x0, v11  }
0x5f: {  	v14 =	vpop (erf);
	vm2 =	vgt.s32 v24, $0x0;
	v19 =	vor.u32 v4, v19;
	vm0 =	vgt.s32 v16, $0x0  }
0x60: {  	vm3 =	vgt.s32 v26, $0x0;
	v11 =	vpop (erf);
	v23 =	vor.u32 v4, v20;
	v27 =	vmin.u32 v27, $0x1FF  }
0x61: {  	s18 =	simm.s32 $0xF0;
	v20 =	vcvt.f32.s32 v21;
	v21 =	vor.u32 v4, v27;
	v26 =	vnsel vm3, $0x0, v26;
	v12 =	vpop (erf)  }
.LBB2_7:
0x62: {  	s17 =	sadd.s32 $0xA0, s17;
	v27 =	vld [tilespmem:s18+$0x10];
	v10 =	vmul.f32 $1.442695020e+00, v10;
	v16 =	vnsel vm0, $0x0, v16;
	vm0 =	vgt.s32 v18, $0x0  }
0x63: {  	v30 =	vnsel vm1, $0x0, v22;
	v25 =	vcvt.f32.s32 v25;
	v28 =	vld [tilespmem:s18+$0xFFFFFFB0];
	s19 =	sand.u32 $0x1FFE0, s17;
	p0 =	slt.u32 s17, $0x18600;
	v29 =	vpop (erf);
	(erf) = vpow2.f32 v13  }
0x64: {  	v13 =	vmin.u32 v30, $0x1FF;
	[tilespmem:v19+s10+$0x0] =	vst.idx.add.f32.msk $0xffff, v29;
	v19 =	vmin.u32 v26, $0x1FF;
	v22 =	vpop (erf);
	(erf) = vpow2.f32 v17  }
0x65: {  	v26 =	vor.u32 v4, v13;
	vm1 =	vgt.s32 v25, $0x0;
	v17 =	vld [tilespmem:s18+$0xFFFFFFD0];
	v13 =	vor.u32 v4, v19  }
0x66: {  	v9 =	vmul.f32 $1.442695020e+00, v9;
	v25 =	vnsel vm1, $0x0, v25;
	v19 =	vld [tilespmem:s19+$0x80];
	(erf) = vpow2.f32 v15  }
0x67: {  	v16 =	vmin.u32 v16, $0x1FF;
	v25 =	vmin.u32 v25, $0x1FF;
	v15 =	vld [tilespmem:s18+$0xFFFFFFC0];
	(erf) = vpow2.f32 v10  }
0x68: {  	v18 =	vnsel vm0, $0x0, v18;
	v25 =	vor.u32 v4, v25;
	v10 =	vld [tilespmem:s18+$0xFFFFFFE0];
	(erf) = vpow2.f32 v9  }
0x69: {  	vm0 =	vgt.s32 v20, $0x0;
	v18 =	vmin.u32 v18, $0x1FF;
	v9 =	vnsel vm2, $0x0, v24;
	[tilespmem:v23+s10+$0x0] =	vst.idx.add.f32.msk $0xffff, v22  }
0x6a: {  	v23 =	vmul.f32 $3.200000000e+01, v27;
	v9 =	vmin.u32 v9, $0x1FF;
	v22 =	vmul.f32 $1.442695020e+00, v17;
	v24 =	vld [tilespmem:s18+$0x40]  }
0x6b: {  	v29 =	vmul.f32 $3.200000000e+01, v19;
	[tilespmem:v21+s10+$0x0] =	vst.idx.add.f32.msk $0xffff, v14;
	v14 =	vnsel vm0, $0x0, v20;
	v20 =	vor.u32 v4, v9  }
0x6c: {  	v21 =	vmul.f32 $3.200000000e+01, v15;
	v15 =	vmul.f32 $1.442695020e+00, v15;
	v9 =	vld [tilespmem:s18+$0xFFFFFFF0];
	v14 =	vmin.u32 v14, $0x1FF;
	v30 =	vpop (erf)  }
0x6d: {  	v18 =	vor.u32 v4, v18;
	v17 =	vmul.f32 $3.200000000e+01, v17;
	v31 =	vld [tilespmem:s18+$0x20];
	v14 =	vor.u32 v4, v14;
	v32 =	vpop (erf)  }
0x6e: {  	v33 =	vmul.f32 $3.200000000e+01, v28;
	v23 =	vadd.f32 $1.920000000e+02, v23;
	v34 =	vmul.f32 $3.200000000e+01, v10;
	v35 =	vld [tilespmem:s18+$0x0]  }
0x6f: {  	v28 =	vmul.f32 $1.442695020e+00, v28;
	v17 =	vadd.f32 $1.920000000e+02, v17;
	(erf) = vpow2.f32 v22;
	[tilespmem:v13+s10+$0x0] =	vst.idx.add.f32.msk $0xffff, v30;
	v22 =	vpop (erf)  }
0x70: {  	v16 =	vor.u32 v4, v16;
	v13 =	vmul.f32 $1.442695020e+00, v19;
	v19 =	vmul.f32 $3.200000000e+01, v24;
	[tilespmem:v20+s10+$0x0] =	vst.idx.add.f32.msk $0xffff, v32;
	v20 =	vpop (erf)  }
0x71: {  	v21 =	vadd.f32 $1.920000000e+02, v21;
	v30 =	vtrunc.f32 v17;
	(erf) = vpow2.f32 v15;
	[tilespmem:v26+s10+$0x0] =	vst.idx.add.f32.msk $0xffff, v11;
	v11 =	vpop (erf)  }
0x72: {  	v15 =	vadd.f32 $1.920000000e+02, v33;
	v17 =	vmul.f32 $3.200000000e+01, v31;
	v26 =	vmul.f32 $1.442695020e+00, v31;
	[tilespmem:v25+s10+$0x0] =	vst.idx.add.f32.msk $0xffff, v22  }
0x73: {  	v23 =	vtrunc.f32 v23;
	v22 =	vmul.f32 $3.200000000e+01, v35;
	[tilespmem:v18+s10+$0x0] =	vst.idx.add.f32.msk $0xffff, v12  }
0x74: {  	v12 =	vtrunc.f32 v15;
	v15 =	vmul.f32 $3.200000000e+01, v9;
	v18 =	vadd.f32 $1.920000000e+02, v19;
	[tilespmem:v14+s10+$0x0] =	vst.idx.add.f32.msk $0xffff, v20  }
0x75: {  	v20 =	vmul.f32 $1.442695020e+00, v27;
	v17 =	vadd.f32 $1.920000000e+02, v17;
	(erf) = vpow2.f32 v26;
	[tilespmem:v16+s10+$0x0] =	vst.idx.add.f32.msk $0xffff, v11  }
0x76: {  	v11 =	vtrunc.f32 v21;
	v21 =	vadd.f32 $1.920000000e+02, v34;
	v16 =	vadd.f32 $1.920000000e+02, v15  }
0x77: {  	v19 =	vcvt.f32.s32 v23;
	v25 =	vadd.f32 $1.920000000e+02, v22;
	v23 =	vtrunc.f32 v17  }
0x78: {  	v26 =	vcvt.f32.s32 v12;
	v15 =	vmul.f32 $1.442695020e+00, v35;
	v14 =	vpop (erf)  }
0x79: {  	vm0 =	vgt.s32 v19, $0x0;
	v12 =	vadd.f32 $1.920000000e+02, v29;
	v17 =	vmul.f32 $1.442695020e+00, v24  }
0x7a: {  	v22 =	vcvt.f32.s32 v11;
	v19 =	vnsel vm0, $0x0, v19;
	v16 =	vtrunc.f32 v16;
	v11 =	vpop (erf)  }
0x7b: {  	v19 =	vmin.u32 v19, $0x1FF;
	v12 =	vtrunc.f32 v12;
	v16 =	vcvt.f32.s32 v16  }
0x7c: {  	v19 =	vor.u32 v4, v19;
	v27 =	vcvt.f32.s32 v12;
	(erf) = vpow2.f32 v20  }
0x7d: {  	vm0 =	vgt.s32 v16, $0x0;
	v20 =	vtrunc.f32 v21;
	(erf) = vpow2.f32 v28  }
0x7e: {  	v24 =	vtrunc.f32 v18;
	vm1 =	vgt.s32 v22, $0x0;
	v21 =	vcvt.f32.s32 v30;
	v12 =	vpop (erf)  }
.Ltmp6:
0x7f: {  	vm2 =	vgt.s32 v26, $0x0;
	v18 =	vcvt.f32.s32 v23;
	vm3 =	vgt.s32 v27, $0x0;
	(pc) =	sbr.rel @p0 .LBB2_7-.Ltmp6, $4  }
0x80: {  	v25 =	vtrunc.f32 v25;
	v23 =	vnsel vm2, $0x0, v26;
	vm2 =	vgt.s32 v21, $0x0  }
0x81: {  	v24 =	vcvt.f32.s32 v24;
	v23 =	vmin.u32 v23, $0x1FF;
	v21 =	vnsel vm2, $0x0, v21  }
0x82: {  	v23 =	vor.u32 v4, v23;
	v20 =	vcvt.f32.s32 v20;
	v21 =	vmin.u32 v21, $0x1FF  }
0x83: {  	s18 =	sadd.s32 $0xA0, s18;
	v26 =	vnsel vm3, $0x0, v27;
	vm2 =	vgt.s32 v24, $0x0;
	v21 =	vor.u32 v4, v21  }
0x84: {  	(erf) = vpow2.f32 v13  }
0x85: {  	v10 =	vmul.f32 $1.442695020e+00, v10;
	v13 =	vnsel vm1, $0x0, v22;
	vm13 =	vgt.s32 v18, $0x0  }
0x86: {  	v22 =	vmin.u32 v26, $0x1FF;
	v9 =	vmul.f32 $1.442695020e+00, v9;
	(erf) = vpow2.f32 v17  }
0x87: {  	v17 =	vcvt.f32.s32 v25;
	(erf) = vpow2.f32 v15;
	v15 =	vnsel vm2, $0x0, v24  }
0x88: {  	vm15 =	vgt.s32 v20, $0x0;
	(erf) = vpow2.f32 v10;
	v10 =	vmin.u32 v15, $0x1FF  }
0x89: {  	v13 =	vmin.u32 v13, $0x1FF;
	v22 =	vor.u32 v4, v22;
	vm14 =	vgt.s32 v17, $0x0  }
0x8a: {  	v13 =	vor.u32 v4, v13;
	v17 =	vnsel vm14, $0x0, v17;
	v15 =	vpop (erf);
	(erf) = vpow2.f32 v9  }
0x8b: {  	v9 =	vor.u32 v4, v10;
	v10 =	vpop (erf);
	[tilespmem:v19+s10+$0x0] =	vst.idx.add.f32.msk $0xffff, v15;
	v15 =	vmin.u32 v17, $0x1FF;
	v17 =	vnsel vm13, $0x0, v18  }
0x8c: {  	[tilespmem:v23+s10+$0x0] =	vst.idx.add.f32.msk $0xffff, v10;
	v10 =	vmin.u32 v17, $0x1FF;
	v17 =	vnsel vm15, $0x0, v20  }
0x8d: {  	v15 =	vor.u32 v4, v15  }
0x8e: {  	v16 =	vnsel vm0, $0x0, v16;
	[tilespmem:v21+s10+$0x0] =	vst.idx.add.f32.msk $0xffff, v14;
	v14 =	vmin.u32 v17, $0x1FF;
	v10 =	vor.u32 v4, v10  }
0x8f: {  	v16 =	vmin.u32 v16, $0x1FF;
	[tilespmem:v13+s10+$0x0] =	vst.idx.add.f32.msk $0xffff, v11;
	v14 =	vor.u32 v4, v14;
	v17 =	vpop (erf)  }
0x90: {  	v16 =	vor.u32 v4, v16;
	v18 =	vpop (erf);
	[tilespmem:v22+s10+$0x0] =	vst.idx.add.f32.msk $0xffff, v17  }
0x91: {  	[tilespmem:v9+s10+$0x0] =	vst.idx.add.f32.msk $0xffff, v18;
	v9 =	vpop (erf)  }
0x92: {  	[tilespmem:v15+s10+$0x0] =	vst.idx.add.f32.msk $0xffff, v9  }
0x93: {  	v9 =	vpop (erf);
	[tilespmem:v10+s10+$0x0] =	vst.idx.add.f32.msk $0xffff, v12  }
0x94: {  	v10 =	vpop (erf);
	[tilespmem:v14+s10+$0x0] =	vst.idx.add.f32.msk $0xffff, v9  }
0x95: {  	[tilespmem:v16+s10+$0x0] =	vst.idx.add.f32.msk $0xffff, v10  }
0x96: {  	_ =	strace $0x90000048  }
0x97: {  	s20 =	simm.s32 $0x0;
	_ =	strace $0x80000049  }
0x98: {  	v9 =	vld [tilespmem:s20+$0x188F0]  }
0x99: {  	v10 =	vld [tilespmem:s20+$0x18AF0];
	_ =	sdelay $0x1  }
0x9a: {  	v11 =	vld [tilespmem:s20+$0x18CF0];
	_ =	sdelay $0x1  }
0x9b: {  	v12 =	vld [tilespmem:s20+$0x18EF0]  }
0x9c: {  	v9 =	vadd.f32 v10, v9  }
0x9d: {  	v10 =	vld [tilespmem:s20+$0x190F0]  }
0x9e: {  	v9 =	vadd.f32 v11, v9  }
0x9f: {  	v11 =	vld [tilespmem:s20+$0x192F0]  }
0xa0: {  	v9 =	vadd.f32 v12, v9  }
0xa1: {  	v12 =	vld [tilespmem:s20+$0x194F0]  }
0xa2: {  	v9 =	vadd.f32 v10, v9  }
0xa3: {  	s19 =	simm.s32 $0xFFFFFFF0;
	v10 =	vld [tilespmem:s20+$0x196F0]  }
0xa4: {  	v14 =	vld [tilespmem:s19+$0x188F0];
	v9 =	vadd.f32 v11, v9  }
0xa5: {  	v11 =	vld [tilespmem:s20+$0x198F0]  }
0xa6: {  	v9 =	vadd.f32 v12, v9;
	v12 =	vld [tilespmem:s19+$0x18AF0]  }
0xa7: {  	v13 =	vld [tilespmem:s20+$0x19AF0]  }
0xa8: {  	v9 =	vadd.f32 v10, v9;
	v10 =	vld [tilespmem:s19+$0x18CF0]  }
0xa9: {  	v15 =	vld [tilespmem:s20+$0x19CF0]  }
0xaa: {  	v9 =	vadd.f32 v11, v9;
	v11 =	vld [tilespmem:s19+$0x18EF0]  }
0xab: {  	v16 =	vld [tilespmem:s20+$0x19EF0];
	v12 =	vadd.f32 v12, v14  }
0xac: {  	v9 =	vadd.f32 v13, v9;
	v13 =	vld [tilespmem:s19+$0x190F0]  }
0xad: {  	v17 =	vld [tilespmem:s20+$0x1A0F0];
	v10 =	vadd.f32 v10, v12  }
0xae: {  	v12 =	vld [tilespmem:s19+$0x192F0]  }
0xaf: {  	v14 =	vld [tilespmem:s20+$0x1A2F0];
	v9 =	vadd.f32 v15, v9;
	v10 =	vadd.f32 v11, v10  }
0xb0: {  	v11 =	vld [tilespmem:s19+$0x194F0]  }
0xb1: {  	v15 =	vld [tilespmem:s20+$0x1A4F0];
	v9 =	vadd.f32 v16, v9;
	v10 =	vadd.f32 v13, v10  }
0xb2: {  	v13 =	vld [tilespmem:s19+$0x196F0]  }
0xb3: {  	v16 =	vld [tilespmem:s20+$0x1A6F0];
	v9 =	vadd.f32 v17, v9;
	v10 =	vadd.f32 v12, v10  }
0xb4: {  	v12 =	vld [tilespmem:s19+$0x198F0]  }
0xb5: {  	s18 =	simm.s32 $0xFFFFFFE0;
	v17 =	vld [tilespmem:s19+$0x19AF0];
	v9 =	vadd.f32 v14, v9;
	v10 =	vadd.f32 v11, v10  }
0xb6: {  	v14 =	vld [tilespmem:s18+$0x188F0]  }
0xb7: {  	v11 =	vld [tilespmem:s18+$0x18AF0];
	v9 =	vadd.f32 v15, v9;
	v10 =	vadd.f32 v13, v10  }
0xb8: {  	v15 =	vld [tilespmem:s19+$0x19CF0]  }
0xb9: {  	v13 =	vadd.f32 v16, v9;
	v9 =	vld [tilespmem:s18+$0x18CF0];
	v10 =	vadd.f32 v12, v10  }
0xba: {  	v16 =	vld [tilespmem:s19+$0x19EF0]  }
0xbb: {  	v18 =	vld [tilespmem:s18+$0x18EF0];
	v12 =	vperm.xlane v13, v6;
	v10 =	vadd.f32 v17, v10  }
0xbc: {  	v19 =	vld [tilespmem:s19+$0x1A0F0]  }
0xbd: {  	v11 =	vadd.f32 v11, v14;
	v14 =	vld [tilespmem:s18+$0x190F0];
	(xrf2) =	vadd.scan.msk.f32 $0xffff, v12;
	v10 =	vadd.f32 v15, v10  }
0xbe: {  	v17 =	vld [tilespmem:s19+$0x1A2F0]  }
0xbf: {  	v9 =	vadd.f32 v9, v11;
	v10 =	vadd.f32 v16, v10  }
0xc0: {  	v11 =	vld [tilespmem:s18+$0x192F0]  }
0xc1: {  	v15 =	vld [tilespmem:s19+$0x1A4F0];
	v9 =	vadd.f32 v18, v9;
	v10 =	vadd.f32 v19, v10  }
0xc2: {  	v16 =	vld [tilespmem:s18+$0x194F0]  }
0xc3: {  	v18 =	vld [tilespmem:s19+$0x1A6F0];
	v9 =	vadd.f32 v14, v9;
	v10 =	vadd.f32 v17, v10  }
0xc4: {  	v14 =	vld [tilespmem:s18+$0x196F0]  }
0xc5: {  	v19 =	vld [tilespmem:s18+$0x19AF0];
	v9 =	vadd.f32 v11, v9  }
0xc6: {  	s17 =	simm.s32 $0xFFFFFFD0;
	v11 =	vld [tilespmem:s18+$0x198F0]  }
0xc7: {  	v17 =	vld [tilespmem:s17+$0x188F0];
	v9 =	vadd.f32 v16, v9;
	v15 =	vadd.f32 v15, v10;
	v10, _, _ =	vpop (xrf2)  }
0xc8: {  	v16 =	vld [tilespmem:s17+$0x18AF0];
	v12 =	vsub.f32 v10, v12  }
0xc9: {  	v20 =	vld [tilespmem:s18+$0x19CF0];
	v14 =	vadd.f32 v14, v9;
	v9 =	vadd.f32 v18, v15;
	v10 =	vimm.f32 $0.0e+00  }
0xca: {  	v15 =	vld [tilespmem:s17+$0x18CF0];
	v12 =	vadd.f32 v12, v10  }
0xcb: {  	v21 =	vld [tilespmem:s17+$0x18EF0];
	(xrf2) =	vadd.scan.msk.f32 $0xffff, v13;
	v14 =	vadd.f32 v11, v14;
	v11 =	vperm.xlane v9, v6  }
0xcc: {  	v18 =	vld [tilespmem:s18+$0x19EF0];
	v12 =	vperm.xlane v12, v6  }
0xcd: {  	v13 =	vld [tilespmem:s18+$0x1A0F0];
	v16 =	vadd.f32 v16, v17;
	v14 =	vadd.f32 v19, v14;
	(xrf2) =	vadd.scan.msk.f32 $0xffff, v11  }
0xce: {  	v17 =	vld [tilespmem:s17+$0x190F0];
	[tilespmem:s20+$0x1A8F0] =	vst v12  }
0xcf: {  	v14 =	vadd.f32 v20, v14;
	v12 =	vadd.f32 v15, v16;
	v16 =	vld [tilespmem:s18+$0x1A2F0]  }
0xd0: {  	v19 =	vld [tilespmem:s17+$0x192F0]  }
0xd1: {  	v14 =	vadd.f32 v18, v14;
	v20 =	vld [tilespmem:s18+$0x1A4F0];
	v12 =	vadd.f32 v21, v12  }
0xd2: {  	v21 =	vld [tilespmem:s17+$0x194F0]  }
0xd3: {  	v15 =	vld [tilespmem:s18+$0x1A6F0];
	v14 =	vadd.f32 v13, v14;
	v12 =	vadd.f32 v17, v12  }
0xd4: {  	v13 =	vld [tilespmem:s17+$0x196F0]  }
0xd5: {  	v17 =	vadd.f32 v19, v12;
	v12 =	vld [tilespmem:s17+$0x19AF0];
	v19 =	vadd.f32 v16, v14;
	v16, _, _ =	vpop (xrf2)  }
0xd6: {  	s20 =	simm.s32 $0xFFFFFFC0;
	v14 =	vld [tilespmem:s17+$0x198F0];
	v18 =	vbroadcast v16, $0xF  }
0xd7: {  	s21 =	simm.s32 $0xFFFFFEC0;
	v16 =	vld [tilespmem:s20+$0x188F0];
	v17 =	vadd.f32 v21, v17;
	v19 =	vadd.f32 v20, v19;
	v20, _, _ =	vpop (xrf2)  }
.LBB2_9:
0xd8: {  	p0 =	sne.s32 s21, $0xFFFFF840;
	v21 =	vld [tilespmem:s20+$0x18AF0];
	v11 =	vsub.f32 v20, v11;
	v10 =	vadd.f32 v18, v10  }
0xd9: {  	v13 =	vadd.f32 v13, v17;
	v17 =	vld [tilespmem:s17+$0x19CF0];
	v15 =	vadd.f32 v15, v19  }
0xda: {  	v18 =	vld [tilespmem:s20+$0x18CF0];
	v19 =	vadd.f32 v11, v10;
	(xrf2) =	vadd.scan.msk.f32 $0xffff, v9  }
0xdb: {  	v13 =	vadd.f32 v14, v13;
	v14 =	vld [tilespmem:s17+$0x19EF0];
	v11 =	vperm.xlane v15, v6;
	v9 =	vmov v15  }
0xdc: {  	v15 =	vld [tilespmem:s20+$0x18EF0];
	v19 =	vperm.xlane v19, v6  }
0xdd: {  	v16 =	vadd.f32 v21, v16;
	v12 =	vadd.f32 v12, v13;
	v13 =	vld [tilespmem:s17+$0x1A0F0];
	(xrf2) =	vadd.scan.msk.f32 $0xffff, v11  }
0xde: {  	v20 =	vld [tilespmem:s20+$0x190F0];
	[tilespmem:s19+$0x1A8F0] =	vst v19;
	s19 =	smov.u32 s18;
	s18 =	smov.u32 s17;
	s17 =	smov.u32 s20  }
0xdf: {  	v16 =	vadd.f32 v18, v16;
	v12 =	vadd.f32 v17, v12;
	v17 =	vld [tilespmem:s18+$0x1A2F0]  }
0xe0: {  	v18 =	vld [tilespmem:s17+$0x192F0]  }
0xe1: {  	v15 =	vadd.f32 v15, v16;
	v12 =	vadd.f32 v14, v12;
	v19 =	vld [tilespmem:s18+$0x1A4F0]  }
0xe2: {  	v21 =	vld [tilespmem:s17+$0x194F0]  }
.Ltmp7:
0xe3: {  	v14 =	vadd.f32 v20, v15;
	v16 =	vadd.f32 v13, v12;
	v15 =	vld [tilespmem:s18+$0x1A6F0];
	(pc) =	sbr.rel @p0 .LBB2_9-.Ltmp7, $4  }
0xe4: {  	v13 =	vld [tilespmem:s17+$0x196F0];
	v20, _, _ =	vpop (xrf2)  }
0xe5: {  	v22 =	vadd.f32 v18, v14;
	v12 =	vld [tilespmem:s17+$0x19AF0];
	v23 =	vadd.f32 v17, v16  }
0xe6: {  	s20 =	sshra.s32 s21, $0x2;
	v18 =	vbroadcast v20, $0xF;
	v14 =	vld [tilespmem:s17+$0x198F0]  }
0xe7: {  	s21 =	sadd.s32 $0xFFFFFFC0, s21;
	v16 =	vld [tilespmem:s20+$0x188F0];
	v17 =	vadd.f32 v21, v22;
	v19 =	vadd.f32 v19, v23;
	v20, _, _ =	vpop (xrf2)  }
0xe8: {  	v21 =	vld [tilespmem:s20+$0x18AF0];
	v11 =	vsub.f32 v20, v11  }
0xe9: {  	v10 =	vadd.f32 v18, v10;
	v15 =	vadd.f32 v15, v19  }
0xea: {  	v19 =	vld [tilespmem:s20+$0x18CF0]  }
0xeb: {  	v18 =	vld [tilespmem:s17+$0x19CF0];
	v11 =	vadd.f32 v11, v10;
	v22 =	vperm.xlane v15, v6  }
0xec: {  	(xrf2) =	vadd.scan.msk.f32 $0xffff, v9;
	v9 =	vld [tilespmem:s20+$0x18EF0]  }
0xed: {  	v62 =	vld [tilespmem:s17+$0x19EF0];
	v11 =	vperm.xlane v11, v6;
	v16 =	vadd.f32 v21, v16;
	(xrf2) =	vadd.scan.msk.f32 $0xffff, v22  }
0xee: {  	v23 =	vld [tilespmem:s20+$0x190F0]  }
0xef: {  	v63 =	vld [tilespmem:s17+$0x1A0F0];
	[tilespmem:s19+$0x1A8F0] =	vst v11;
	v11 =	vadd.f32 v19, v16  }
0xf0: {  	v16 =	vld [tilespmem:s20+$0x192F0]  }
0xf1: {  	v9 =	vadd.f32 v9, v11  }
0xf2: {  	v11 =	vld [tilespmem:s20+$0x194F0]  }
0xf3: {  	v9 =	vadd.f32 v23, v9  }
0xf4: {  	v13 =	vadd.f32 v13, v17;
	v19 =	vld [tilespmem:s20+$0x196F0]  }
0xf5: {  	v9 =	vadd.f32 v16, v9  }
0xf6: {  	v13 =	vadd.f32 v14, v13;
	v17 =	vld [tilespmem:s20+$0x198F0];
	v16, _, _ =	vpop (xrf2)  }
0xf7: {  	v16 =	vbroadcast v16, $0xF;
	v9 =	vadd.f32 v11, v9;
	v11, _, _ =	vpop (xrf2)  }
0xf8: {  	v12 =	vadd.f32 v12, v13;
	v14 =	vld [tilespmem:s20+$0x19AF0];
	v11 =	vsub.f32 v11, v22  }
0xf9: {  	v10 =	vadd.f32 v16, v10;
	v9 =	vadd.f32 v19, v9  }
0xfa: {  	v13 =	vld [tilespmem:s20+$0x19CF0];
	v12 =	vadd.f32 v18, v12  }
0xfb: {  	v16 =	vld [tilespmem:s17+$0x1A2F0];
	v11 =	vadd.f32 v11, v10;
	v9 =	vadd.f32 v17, v9  }
0xfc: {  	v17 =	vld [tilespmem:s20+$0x19EF0]  }
0xfd: {  	v12 =	vadd.f32 v62, v12;
	v19 =	vld [tilespmem:s17+$0x1A4F0];
	v11 =	vperm.xlane v11, v6;
	v9 =	vadd.f32 v14, v9  }
0xfe: {  	v14 =	vld [tilespmem:s20+$0x1A0F0]  }
0xff: {  	v18 =	vld [tilespmem:s17+$0x1A6F0];
	[tilespmem:s18+$0x1A8F0] =	vst v11;
	v11 =	vadd.f32 v63, v12;
	v9 =	vadd.f32 v13, v9  }
0x100: {  	v12 =	vld [tilespmem:s20+$0x1A2F0]  }
0x101: {  	v11 =	vadd.f32 v16, v11;
	v9 =	vadd.f32 v17, v9  }
0x102: {  	v13 =	vld [tilespmem:s20+$0x1A4F0]  }
0x103: {  	v11 =	vadd.f32 v19, v11;
	v9 =	vadd.f32 v14, v9  }
0x104: {  	v14 =	vld [tilespmem:s20+$0x1A6F0]  }
0x105: {  	v11 =	vadd.f32 v18, v11;
	v9 =	vadd.f32 v12, v9;
	_ =	sdelay $0x1  }
0x106: {  	v12 =	vperm.xlane v11, v6;
	v9 =	vadd.f32 v13, v9  }
0x107: {  	(xrf2) =	vadd.scan.msk.f32 $0xffff, v15  }
0x108: {  	(xrf2) =	vadd.scan.msk.f32 $0xffff, v12;
	v9 =	vadd.f32 v14, v9  }
0x109: {  	(xrf2) =	vadd.scan.msk.f32 $0xffff, v11  }
0x10a: {  	v11 =	vperm.xlane v9, v6;
	_ =	sdelay $0x1  }
0x10b: {  	(xrf2) =	vadd.scan.msk.f32 $0xffff, v11;
	_ =	sdelay $0x4  }
0x10c: {  	v13, _, _ =	vpop (xrf2)  }
0x10d: {  	v13 =	vbroadcast v13, $0xF;
	v14, _, _ =	vpop (xrf2)  }
0x10e: {  	(xrf2) =	vadd.scan.msk.f32 $0xffff, v9;
	v9, _, _ =	vpop (xrf2)  }
0x10f: {  	v10 =	vadd.f32 v13, v10;
	v9 =	vbroadcast v9, $0xF  }
0x110: {  	v12 =	vsub.f32 v14, v12  }
0x111: {  	v9 =	vadd.f32 v9, v10;
	v13, _, _ =	vpop (xrf2)  }
0x112: {  	v10 =	vadd.f32 v12, v10;
	v11 =	vsub.f32 v13, v11;
	_ =	sdelay $0x1  }
0x113: {  	v10 =	vperm.xlane v10, v6;
	v11 =	vadd.f32 v11, v9;
	_ =	sdelay $0x1  }
0x114: {  	v11 =	vperm.xlane v11, v6  }
0x115: {  	[tilespmem:s17+$0x1A8F0] =	vst v10  }
0x116: {  	v10, _, _ =	vpop (xrf2);
	[tilespmem:s20+$0x1A8F0] =	vst v11  }
0x117: {  	_ =	strace $0x90000049  }
0x118: {  	s31 =	simm.s32 $0x1A740;
	v10 =	vbroadcast v10, $0xF;
	_ =	strace $0x8000004A  }
0x119: {  	v11 =	vld [tilespmem:s31+$0xFFFFFFC0]  }
0x11a: {  	v9 =	vadd.f32 v10, v9;
	v12 =	vld [tilespmem:s31+$0xFFFFFFD0]  }
0x11b: {  	v14 =	vld [tilespmem:s31+$0xFFFFFFE0]  }
0x11c: {  	v9 =	vmul.f32 $8.999999760e-01, v9;
	v13 =	vld [tilespmem:s31+$0xFFFFFFF0]  }
0x11d: {  	v10 =	vld [tilespmem:s31+$0x0]  }
0x11e: {  	vm0 =	vge.f32 v11, v9;
	v11 =	vld [tilespmem:s31+$0x10]  }
0x11f: {  	v15 =	vmpcnt.ones.xlane vm0;
	vm0 =	vge.f32 v12, v9;
	v12 =	vld [tilespmem:s31+$0x20]  }
0x120: {  	s18 =	simm.s32 $0x1A7C0;
	v17 =	vimm.s32 $0x0;
	s17 =	simm.s32 $0x0;
	v16 =	vmpcnt.ones.xlane vm0;
	vm0 =	vge.f32 v14, v9;
	v14 =	vld [tilespmem:s31+$0x30]  }
.LBB2_11:
0x121: {  	v18 =	vld [tilespmem:s18+$0xFFFFFFC0];
	s17 =	sadd.s32 $0x80, s17;
	v15 =	vadd.s32 v17, v15;
	v17 =	vmpcnt.ones.xlane vm0;
	vm0 =	vge.f32 v13, v9  }
0x122: {  	v19 =	vld [tilespmem:s18+$0xFFFFFFD0];
	p0 =	slt.u32 s17, $0x180;
	v13 =	vadd.s32 v16, v15;
	v15 =	vmpcnt.ones.xlane vm0;
	vm0 =	vge.f32 v10, v9  }
0x123: {  	v20 =	vld [tilespmem:s18+$0xFFFFFFE0];
	v10 =	vadd.s32 v17, v13;
	v16 =	vmpcnt.ones.xlane vm0;
	vm0 =	vge.f32 v11, v9  }
.Ltmp8:
0x124: {  	v13 =	vld [tilespmem:s18+$0xFFFFFFF0];
	v11 =	vadd.s32 v15, v10;
	v15 =	vmpcnt.ones.xlane vm0;
	vm0 =	vge.f32 v12, v9;
	(pc) =	sbr.rel @p0 .LBB2_11-.Ltmp8, $4  }
0x125: {  	v10 =	vld [tilespmem:s18+$0x0];
	v12 =	vadd.s32 v16, v11;
	v16 =	vmpcnt.ones.xlane vm0;
	vm0 =	vge.f32 v14, v9  }
0x126: {  	vm1 =	vge.f32 v18, v9;
	v11 =	vld [tilespmem:s18+$0x10];
	v14 =	vadd.s32 v15, v12;
	v17 =	vmpcnt.ones.xlane vm0  }
0x127: {  	v15 =	vmpcnt.ones.xlane vm1;
	vm0 =	vge.f32 v19, v9;
	v12 =	vld [tilespmem:s18+$0x20];
	v18 =	vadd.s32 v16, v14  }
0x128: {  	v16 =	vmpcnt.ones.xlane vm0;
	vm0 =	vge.f32 v20, v9;
	v14 =	vld [tilespmem:s18+$0x30];
	s18 =	sadd.s32 $0x80, s18;
	v17 =	vadd.s32 v17, v18  }
0x129: {  	v15 =	vadd.s32 v17, v15;
	v17 =	vmpcnt.ones.xlane vm0;
	vm0 =	vge.f32 v13, v9  }
0x12a: {  	v13 =	vadd.s32 v16, v15;
	v15 =	vmpcnt.ones.xlane vm0;
	vm0 =	vge.f32 v10, v9  }
0x12b: {  	v10 =	vadd.s32 v17, v13;
	v13 =	vmpcnt.ones.xlane vm0;
	vm0 =	vge.f32 v11, v9  }
0x12c: {  	v10 =	vadd.s32 v15, v10;
	v11 =	vmpcnt.ones.xlane vm0;
	vm0 =	vge.f32 v12, v9  }
0x12d: {  	v10 =	vadd.s32 v13, v10;
	v12 =	vmpcnt.ones.xlane vm0;
	vm0 =	vge.f32 v14, v9  }
0x12e: {  	v10 =	vadd.s32 v11, v10;
	v11 =	vmpcnt.ones.xlane vm0  }
0x12f: {  	v10 =	vadd.s32 v12, v10  }
0x130: {  	v10 =	vadd.s32 v11, v10  }
0x131: {  	v10 =	vxor.u32 $0x80000000, v10  }
0x132: {  	(xrf0) =	vmax.scan.msk.u32 $0xffff, v10;
	_ =	sdelay $0x5  }
0x133: {  	v10, _, _ =	vpop (xrf0)  }
0x134: {  	(v2sf) =	vpush v10, $0xF;
	_ =	sdelay $0xe  }
0x135: {  	s17 =	spop (v2sf)  }
0x136: {  	s17 =	sxor.u32 $0x80000000, s17  }
0x137: {  	v10 =	vmov s17;
	_ =	sdelay $0x3  }
0x138: {  	_ =	strace $0x9000004A  }
0x139: {  	s19 =	simm.s32 $0x50;
	v11 =	vld.idx.msk [tilespmem:v10+s11+$0x0], $0xffff;
	_ =	strace $0x8000004B  }
0x13a: {  	v18 =	vld [tilespmem:s19+$0xFFFFFFB0];
	_ =	sdelay $0x1  }
0x13b: {  	v14 =	vld [tilespmem:s19+$0xFFFFFFC0];
	_ =	sdelay $0x2  }
0x13c: {  	v12 =	vmul.f32 $3.200000000e+01, v18  }
0x13d: {  	v19 =	vld [tilespmem:s19+$0xFFFFFFD0]  }
0x13e: {  	s18 =	simm.s32 $0x0;
	v24 =	vld [tilespmem:s19+$0xFFFFFFF0];
	v13 =	vmul.f32 $3.200000000e+01, v14;
	v12 =	vadd.f32 $1.920000000e+02, v12  }
0x13f: {  	s25 =	simm.s32 $0x10;
	v21 =	vor.u32 s18, v0;
	v16 =	vld [tilespmem:s19+$0x0]  }
0x140: {  	s20 =	simm.s32 $0x20;
	s26 =	simm.s32 $0x30;
	v22 =	vor.u32 s25, v0;
	v20 =	vld [tilespmem:s19+$0xFFFFFFE0];
	v13 =	vadd.f32 $1.920000000e+02, v13;
	v12 =	vtrunc.f32 v12  }
0x141: {  	s28 =	simm.s32 $0x40;
	v23 =	vor.u32 s20, v0;
	v25 =	vor.u32 s26, v0;
	v15 =	vcvt.f32.s32 v12  }
0x142: {  	v26 =	vor.u32 s28, v0;
	v17 =	vmul.f32 $3.200000000e+01, v19;
	v13 =	vtrunc.f32 v13  }
0x143: {  	v28 =	vmul.f32 $3.200000000e+01, v24;
	v13 =	vcvt.f32.s32 v13;
	vm0 =	veq.s32 v10, v15  }
0x144: {  	v30 =	vmul.f32 $3.200000000e+01, v16;
	v17 =	vadd.f32 $1.920000000e+02, v17;
	v27 =	vsel vm0, $0x1, v7  }
0x145: {  	v15 =	vmul.f32 $3.200000000e+01, v20;
	vm3 =	veq.s32 v10, v13;
	v27 =	vadd.s32 v27, v1  }
0x146: {  	v13 =	vtrunc.f32 v17;
	v29 =	vsel vm3, $0x1, v7;
	vm1 =	vlt.s32 v27, v8  }
0x147: {  	v13 =	vcvt.f32.s32 v13;
	v15 =	vadd.f32 $1.920000000e+02, v15;
	v27 =	vsel vm1, v27, v8  }
0x148: {  	v28 =	vadd.f32 $1.920000000e+02, v28;
	v30 =	vadd.f32 $1.920000000e+02, v30;
	v17 =	vld [tilespmem:s19+$0x10];
	v29 =	vadd.s32 v29, v27  }
0x149: {  	vm1 =	veq.s32 v10, v13;
	v15 =	vtrunc.f32 v15;
	vm2 =	vlt.s32 v29, v8  }
0x14a: {  	s29 =	simm.s32 $0x50;
	s21 =	simm.s32 $0x80;
	v31 =	vsel vm1, $0x1, v7;
	v15 =	vcvt.f32.s32 v15;
	v29 =	vsel vm2, v29, v8  }
0x14b: {  	s30 =	sand.u32 $0x3FF80, s21;
	s31 =	sand.u32 $0x60, s18;
	v28 =	vtrunc.f32 v28;
	v12 =	vor.u32 s29, v0;
	v13 =	vld [tilespmem:s19+$0x20];
	v31 =	vadd.s32 v31, v29  }
0x14c: {  	s17 =	sor.u32 s31, s30;
	v28 =	vcvt.f32.s32 v28;
	vm2 =	veq.s32 v10, v15;
	vm4 =	vlt.s32 v31, v8  }
0x14d: {  	v32 =	vmul.f32 $3.200000000e+01, v17;
	v15 =	vld [tilespmem:s17+$0x0];
	v33 =	vsel vm2, $0x1, v7;
	[tilespmem:v27+s12+$0x0] =	vst.idx.msk vm3, v14;
	v31 =	vsel vm4, v31, v8  }
0x14e: {  	vm15 =	veq.s32 v10, v28;
	[tilespmem:v27+s13+$0x0] =	vst.idx.msk vm3, v22;
	v22 =	vtrunc.f32 v30;
	v33 =	vadd.s32 v33, v31  }
0x14f: {  	v32 =	vadd.f32 $1.920000000e+02, v32;
	v22 =	vcvt.f32.s32 v22;
	vm3 =	vlt.s32 v33, v8  }
0x150: {  	[tilespmem:v1+s12+$0x0] =	vst.idx.msk vm0, v18;
	v34 =	vmul.f32 $3.200000000e+01, v13;
	v14 =	vld [tilespmem:s19+$0x40];
	v27 =	vsel vm15, $0x1, v7;
	v18 =	vsel vm3, v33, v8  }
0x151: {  	[tilespmem:v1+s13+$0x0] =	vst.idx.msk vm0, v21;
	vm0 =	veq.s32 v10, v22;
	v22 =	vtrunc.f32 v32;
	v21 =	vadd.s32 v27, v18  }
0x152: {  	v63 =	vmul.f32 $3.200000000e+01, v15;
	[tilespmem:v29+s12+$0x0] =	vst.idx.msk vm1, v19;
	v22 =	vcvt.f32.s32 v22;
	vm3 =	vlt.s32 v21, v8  }
0x153: {  	[tilespmem:v29+s13+$0x0] =	vst.idx.msk vm1, v23;
	v27 =	vadd.f32 $1.920000000e+02, v34;
	v19 =	vsel vm3, v21, v8;
	v21 =	vsel vm0, $0x1, v7  }
0x154: {  	[tilespmem:v31+s12+$0x0] =	vst.idx.msk vm2, v20;
	vm1 =	veq.s32 v10, v22;
	v22 =	vadd.f32 $1.920000000e+02, v63;
	v20 =	vadd.s32 v21, v19  }
0x155: {  	[tilespmem:v31+s13+$0x0] =	vst.idx.msk vm2, v25;
	v21 =	vtrunc.f32 v27;
	v27 =	vmul.f32 $3.200000000e+01, v14;
	vm2 =	vlt.s32 v20, v8  }
0x156: {  	v23 =	vsel vm1, $0x1, v7;
	[tilespmem:v18+s12+$0x0] =	vst.idx.msk vm15, v24;
	v24 =	vcvt.f32.s32 v21;
	v20 =	vsel vm2, v20, v8  }
0x157: {  	s20 =	simm.s32 $0x140;
	s17 =	simm.s32 $0xA0;
	[tilespmem:v18+s13+$0x0] =	vst.idx.msk vm15, v26;
	v18 =	vor.u32 s21, v0;
	v21 =	vadd.f32 $1.920000000e+02, v27;
	v23 =	vadd.s32 v23, v20  }
.LBB2_13:
0x158: {  	p0 =	slt.u32 s20, $0x18600;
	[tilespmem:v19+s12+$0x0] =	vst.idx.msk vm0, v16;
	vm2 =	vlt.s32 v23, v8;
	vm3 =	veq.s32 v10, v24;
	v16 =	vtrunc.f32 v22;
	s19 =	sadd.s32 $0xA0, s19  }
0x159: {  	s21 =	sadd.s32 $0x60, s18;
	v22 =	vld [tilespmem:s19+$0xFFFFFFB0];
	[tilespmem:v19+s13+$0x0] =	vst.idx.msk vm0, v12;
	v12 =	vsel vm2, v23, v8;
	v19 =	vsel vm3, $0x1, v7;
	v16 =	vcvt.f32.s32 v16  }
0x15a: {  	v23 =	vor.u32 s21, v0;
	v19 =	vadd.s32 v19, v12  }
0x15b: {  	[tilespmem:v20+s12+$0x0] =	vst.idx.msk vm1, v17;
	vm0 =	vlt.s32 v19, v8;
	vm2 =	veq.s32 v10, v16;
	v16 =	vtrunc.f32 v21  }
0x15c: {  	s21 =	sadd.s32 $0x70, s18;
	v21 =	vld [tilespmem:s19+$0xFFFFFFC0];
	[tilespmem:v20+s13+$0x0] =	vst.idx.msk vm1, v23;
	v17 =	vsel vm0, v19, v8;
	v19 =	vsel vm2, $0x1, v7;
	v16 =	vcvt.f32.s32 v16  }
0x15d: {  	v20 =	vor.u32 s21, v0;
	v19 =	vadd.s32 v19, v17  }
0x15e: {  	v23 =	vmul.f32 $3.200000000e+01, v22;
	[tilespmem:v12+s12+$0x0] =	vst.idx.msk vm3, v13;
	vm1 =	vlt.s32 v19, v8;
	vm0 =	veq.s32 v10, v16  }
0x15f: {  	v24 =	vor.u32 s17, v0;
	s21 =	sadd.s32 $0x10, s17;
	v25 =	vld [tilespmem:s19+$0xFFFFFFD0];
	[tilespmem:v12+s13+$0x0] =	vst.idx.msk vm3, v20;
	v13 =	vsel vm1, v19, v8;
	v12 =	vsel vm0, $0x1, v7  }
0x160: {  	v19 =	vor.u32 s21, v0;
	s21 =	sadd.s32 $0x20, s17;
	v16 =	vadd.f32 $1.920000000e+02, v23;
	v20 =	vld [tilespmem:s19+$0xFFFFFFE0];
	v12 =	vadd.s32 v12, v13  }
0x161: {  	v26 =	vor.u32 s21, v0;
	s21 =	sadd.s32 $0x30, s17;
	v23 =	vmul.f32 $3.200000000e+01, v21;
	[tilespmem:v17+s12+$0x0] =	vst.idx.msk vm2, v15;
	vm1 =	vlt.s32 v12, v8  }
0x162: {  	v27 =	vor.u32 s21, v0;
	s21 =	sadd.s32 $0x40, s17;
	v15 =	vtrunc.f32 v16;
	v28 =	vld [tilespmem:s19+$0xFFFFFFF0];
	[tilespmem:v17+s13+$0x0] =	vst.idx.msk vm2, v18;
	v18 =	vsel vm1, v12, v8  }
0x163: {  	s22 =	sadd.s32 $0x90, s18;
	s18 =	smov.u32 s17;
	v15 =	vcvt.f32.s32 v15;
	v16 =	vadd.f32 $1.920000000e+02, v23;
	v23 =	vor.u32 s21, v0;
	s21 =	sadd.s32 $0x50, s17  }
0x164: {  	s17 =	smov.u32 s20;
	v17 =	vmul.f32 $3.200000000e+01, v25;
	v12 =	vor.u32 s21, v0;
	[tilespmem:v13+s12+$0x0] =	vst.idx.msk vm0, v14;
	v14 =	vor.u32 s22, v0  }
0x165: {  	vm2 =	veq.s32 v10, v15;
	v15 =	vtrunc.f32 v16;
	v29 =	vmul.f32 $3.200000000e+01, v20;
	v16 =	vld [tilespmem:s19+$0x0];
	[tilespmem:v13+s13+$0x0] =	vst.idx.msk vm0, v14  }
0x166: {  	v13 =	vsel vm2, $0x1, v7;
	v14 =	vcvt.f32.s32 v15;
	v15 =	vadd.f32 $1.920000000e+02, v17  }
0x167: {  	v13 =	vadd.s32 v13, v18;
	v29 =	vadd.f32 $1.920000000e+02, v29;
	v30 =	vmul.f32 $3.200000000e+01, v28  }
0x168: {  	vm0 =	vlt.s32 v13, v8;
	vm1 =	veq.s32 v10, v14;
	v14 =	vtrunc.f32 v15;
	v17 =	vld [tilespmem:s19+$0x10]  }
0x169: {  	v31 =	vsel vm0, v13, v8;
	v13 =	vsel vm1, $0x1, v7;
	v14 =	vcvt.f32.s32 v14  }
0x16a: {  	v30 =	vadd.f32 $1.920000000e+02, v30;
	v15 =	vadd.s32 v13, v31;
	v32 =	vmul.f32 $3.200000000e+01, v16  }
0x16b: {  	s21 =	sadd.s32 $0x80, s18;
	[tilespmem:v18+s12+$0x0] =	vst.idx.msk vm2, v22;
	vm3 =	vlt.s32 v15, v8;
	vm0 =	veq.s32 v10, v14;
	v14 =	vtrunc.f32 v29;
	v13 =	vld [tilespmem:s19+$0x20]  }
0x16c: {  	s23 =	sand.u32 $0x60, s18;
	s22 =	sand.u32 $0x3FF80, s21;
	[tilespmem:v18+s13+$0x0] =	vst.idx.msk vm2, v24;
	v18 =	vsel vm3, v15, v8;
	v15 =	vsel vm0, $0x1, v7;
	v14 =	vcvt.f32.s32 v14  }
0x16d: {  	s22 =	sor.u32 s23, s22;
	v24 =	vadd.f32 $1.920000000e+02, v32;
	v22 =	vadd.s32 v15, v18;
	v29 =	vmul.f32 $3.200000000e+01, v17  }
0x16e: {  	[tilespmem:v31+s12+$0x0] =	vst.idx.msk vm1, v21;
	vm3 =	vlt.s32 v22, v8;
	vm2 =	veq.s32 v10, v14;
	v14 =	vtrunc.f32 v30;
	v15 =	vld [tilespmem:s22+$0x0]  }
0x16f: {  	[tilespmem:v31+s13+$0x0] =	vst.idx.msk vm1, v19;
	v19 =	vsel vm3, v22, v8;
	v21 =	vsel vm2, $0x1, v7;
	v14 =	vcvt.f32.s32 v14  }
0x170: {  	v22 =	vadd.f32 $1.920000000e+02, v29;
	v21 =	vadd.s32 v21, v19;
	v29 =	vmul.f32 $3.200000000e+01, v13  }
0x171: {  	v24 =	vtrunc.f32 v24;
	[tilespmem:v18+s12+$0x0] =	vst.idx.msk vm0, v25;
	vm1 =	vlt.s32 v21, v8;
	vm3 =	veq.s32 v10, v14;
	v14 =	vld [tilespmem:s19+$0x40]  }
0x172: {  	v24 =	vcvt.f32.s32 v24;
	[tilespmem:v18+s13+$0x0] =	vst.idx.msk vm0, v26;
	v18 =	vsel vm1, v21, v8;
	v21 =	vsel vm3, $0x1, v7  }
0x173: {  	v25 =	vadd.f32 $1.920000000e+02, v29;
	v21 =	vadd.s32 v21, v18;
	v26 =	vmul.f32 $3.200000000e+01, v15  }
0x174: {  	vm0 =	veq.s32 v10, v24;
	[tilespmem:v19+s12+$0x0] =	vst.idx.msk vm2, v20;
	vm1 =	vlt.s32 v21, v8;
	v20 =	vtrunc.f32 v22  }
.Ltmp9:
0x175: {  	[tilespmem:v19+s13+$0x0] =	vst.idx.msk vm2, v27;
	v19 =	vsel vm1, v21, v8;
	v21 =	vsel vm0, $0x1, v7;
	v20 =	vcvt.f32.s32 v20;
	(pc) =	sbr.rel @p0 .LBB2_13-.Ltmp9, $4  }
0x176: {  	v24 =	vtrunc.f32 v25;
	v21 =	vadd.s32 v21, v19;
	v25 =	vmul.f32 $3.200000000e+01, v14  }
0x177: {  	v22 =	vadd.f32 $1.920000000e+02, v26;
	[tilespmem:v18+s12+$0x0] =	vst.idx.msk vm3, v28;
	vm2 =	vlt.s32 v21, v8;
	vm1 =	veq.s32 v10, v20  }
0x178: {  	v24 =	vcvt.f32.s32 v24;
	[tilespmem:v18+s13+$0x0] =	vst.idx.msk vm3, v23;
	v20 =	vsel vm2, v21, v8;
	v18 =	vsel vm1, $0x1, v7  }
0x179: {  	s20 =	sadd.s32 $0xA0, s20;
	v21 =	vadd.f32 $1.920000000e+02, v25;
	v23 =	vadd.s32 v18, v20;
	v18 =	vor.u32 s21, v0  }
0x17a: {  	s19 =	sadd.s32 $0xA0, s19  }
0x17b: {  	vm2 =	vlt.s32 v23, v8;
	v25 =	vld [tilespmem:s19+$0xFFFFFFB0]  }
0x17c: {  	vm4 =	veq.s32 v10, v24;
	v22 =	vtrunc.f32 v22;
	v37 =	vor.u32 s17, v0  }
0x17d: {  	s20 =	sadd.s32 $0x60, s18;
	s30 =	sadd.s32 $0x70, s18;
	v23 =	vsel vm2, v23, v8;
	v24 =	vsel vm4, $0x1, v7;
	v22 =	vcvt.f32.s32 v22;
	v26 =	vld [tilespmem:s19+$0xFFFFFFC0]  }
0x17e: {  	s31 =	sadd.s32 $0x10, s17;
	v21 =	vtrunc.f32 v21;
	v28 =	vld [tilespmem:s19+$0xFFFFFFD0];
	v32 =	vor.u32 s20, v0;
	v36 =	vor.u32 s30, v0  }
0x17f: {  	v30 =	vld [tilespmem:s19+$0xFFFFFFE0];
	v63 =	vor.u32 s31, v0;
	v24 =	vadd.s32 v24, v23;
	v21 =	vcvt.f32.s32 v21  }
0x180: {  	s21 =	sadd.s32 $0x90, s18;
	vm3 =	vlt.s32 v24, v8;
	vm14 =	veq.s32 v10, v22;
	v58 =	vmul.f32 $3.200000000e+01, v25  }
0x181: {  	v33 =	vld [tilespmem:s19+$0xFFFFFFF0];
	v48 =	vor.u32 s21, v0;
	v24 =	vsel vm3, v24, v8;
	v27 =	vsel vm14, $0x1, v7  }
0x182: {  	vm15 =	veq.s32 v10, v21;
	v27 =	vadd.s32 v27, v24;
	v22 =	vadd.f32 $1.920000000e+02, v58  }
0x183: {  	v29 =	vsel vm15, $0x1, v7;
	v59 =	vmul.f32 $3.200000000e+01, v26;
	v31 =	vmul.f32 $3.200000000e+01, v28  }
0x184: {  	v62 =	vld [tilespmem:s19+$0x0];
	vm5 =	vlt.s32 v27, v8;
	v35 =	vmul.f32 $3.200000000e+01, v30;
	v22 =	vtrunc.f32 v22  }
0x185: {  	v27 =	vsel vm5, v27, v8;
	v21 =	vadd.f32 $1.920000000e+02, v59;
	v22 =	vcvt.f32.s32 v22  }
0x186: {  	v42 =	vmul.f32 $3.200000000e+01, v33;
	v29 =	vadd.s32 v29, v27;
	v31 =	vadd.f32 $1.920000000e+02, v31  }
0x187: {  	vm6 =	vlt.s32 v29, v8;
	v21 =	vtrunc.f32 v21;
	vm5 =	veq.s32 v10, v22  }
0x188: {  	[tilespmem:v19+s12+$0x0] =	vst.idx.msk vm0, v16;
	v60 =	vsel vm6, v29, v8;
	v21 =	vcvt.f32.s32 v21;
	v61 =	vsel vm5, $0x1, v7  }
0x189: {  	[tilespmem:v19+s13+$0x0] =	vst.idx.msk vm0, v12;
	v12 =	vmul.f32 $3.200000000e+01, v62;
	v35 =	vadd.f32 $1.920000000e+02, v35;
	v29 =	vadd.s32 v61, v60  }
0x18a: {  	v38 =	vld [tilespmem:s19+$0x10];
	v31 =	vtrunc.f32 v31;
	vm6 =	veq.s32 v10, v21;
	vm7 =	vlt.s32 v29, v8  }
0x18b: {  	v31 =	vcvt.f32.s32 v31;
	v34 =	vsel vm6, $0x1, v7;
	v29 =	vsel vm7, v29, v8  }
0x18c: {  	v45 =	vadd.f32 $1.920000000e+02, v42;
	v12 =	vadd.f32 $1.920000000e+02, v12;
	v34 =	vadd.s32 v34, v29  }
0x18d: {  	v46 =	vld [tilespmem:s19+$0x20];
	v43 =	vtrunc.f32 v35;
	vm10 =	veq.s32 v10, v31;
	vm9 =	vlt.s32 v34, v8  }
0x18e: {  	[tilespmem:v20+s12+$0x0] =	vst.idx.msk vm1, v17;
	s22 =	sadd.s32 $0x80, s17;
	v19 =	vcvt.f32.s32 v43;
	v39 =	vsel vm10, $0x1, v7;
	v34 =	vsel vm9, v34, v8  }
0x18f: {  	s23 =	sand.u32 $0x3FF80, s22;
	s21 =	sand.u32 $0x60, s17;
	[tilespmem:v23+s12+$0x0] =	vst.idx.msk vm4, v13;
	v13 =	vmul.f32 $3.200000000e+01, v38;
	v17 =	vtrunc.f32 v45;
	v44 =	vadd.s32 v39, v34  }
0x190: {  	[tilespmem:v20+s13+$0x0] =	vst.idx.msk vm1, v32;
	s20 =	sor.u32 s21, s23;
	v12 =	vtrunc.f32 v12;
	vm0 =	veq.s32 v10, v19;
	vm11 =	vlt.s32 v44, v8  }
0x191: {  	v49 =	vld [tilespmem:s20+$0x0];
	[tilespmem:v23+s13+$0x0] =	vst.idx.msk vm4, v36;
	v17 =	vcvt.f32.s32 v17;
	v50 =	vsel vm0, $0x1, v7;
	v47 =	vsel vm11, v44, v8  }
0x192: {  	v51 =	vmul.f32 $3.200000000e+01, v46;
	[tilespmem:v24+s12+$0x0] =	vst.idx.msk vm14, v15;
	v12 =	vcvt.f32.s32 v12;
	v15 =	vadd.s32 v50, v47  }
0x193: {  	v52 =	vld [tilespmem:s19+$0x40];
	v13 =	vadd.f32 $1.920000000e+02, v13;
	[tilespmem:v24+s13+$0x0] =	vst.idx.msk vm14, v18;
	vm13 =	veq.s32 v10, v17;
	vm12 =	vlt.s32 v15, v8  }
0x194: {  	[tilespmem:v27+s12+$0x0] =	vst.idx.msk vm15, v14;
	vm14 =	veq.s32 v10, v12;
	v12 =	vsel vm13, $0x1, v7;
	v14 =	vsel vm12, v15, v8  }
0x195: {  	v18 =	vadd.f32 $1.920000000e+02, v51;
	v13 =	vtrunc.f32 v13;
	[tilespmem:v27+s13+$0x0] =	vst.idx.msk vm15, v48;
	v12 =	vadd.s32 v12, v14  }
0x196: {  	v53 =	vmul.f32 $3.200000000e+01, v49;
	v13 =	vcvt.f32.s32 v13;
	[tilespmem:v60+s12+$0x0] =	vst.idx.msk vm5, v25;
	vm15 =	vlt.s32 v12, v8  }
0x197: {  	v18 =	vtrunc.f32 v18;
	v54 =	vsel vm14, $0x1, v7;
	[tilespmem:v60+s13+$0x0] =	vst.idx.msk vm5, v37;
	v12 =	vsel vm15, v12, v8  }
0x198: {  	v55 =	vmul.f32 $3.200000000e+01, v52;
	v18 =	vcvt.f32.s32 v18;
	[tilespmem:v29+s12+$0x0] =	vst.idx.msk vm6, v26;
	v22 =	vadd.s32 v54, v12  }
0x199: {  	s24 =	sadd.s32 $0x20, s17;
	vm9 =	veq.s32 v10, v13;
	v13 =	vadd.f32 $1.920000000e+02, v53;
	[tilespmem:v29+s13+$0x0] =	vst.idx.msk vm6, v63;
	vm8 =	vlt.s32 v22, v8  }
0x19a: {  	s25 =	sadd.s32 $0x30, s17;
	v57 =	vsel vm9, $0x1, v7;
	[tilespmem:v34+s12+$0x0] =	vst.idx.msk vm10, v28;
	v15 =	vor.u32 s24, v0;
	v56 =	vsel vm8, v22, v8  }
0x19b: {  	v58 =	vor.u32 s25, v0;
	v59 =	vadd.f32 $1.920000000e+02, v55;
	[tilespmem:v34+s13+$0x0] =	vst.idx.msk vm10, v15;
	v15 =	vadd.s32 v57, v56  }
0x19c: {  	v13 =	vtrunc.f32 v13;
	vm11 =	veq.s32 v10, v18;
	[tilespmem:v47+s12+$0x0] =	vst.idx.msk vm0, v30;
	vm10 =	vlt.s32 v15, v8  }
0x19d: {  	s26 =	sadd.s32 $0x40, s17;
	s28 =	sadd.s32 $0x50, s17;
	v13 =	vcvt.f32.s32 v13;
	v18 =	vsel vm11, $0x1, v7;
	[tilespmem:v47+s13+$0x0] =	vst.idx.msk vm0, v58;
	v15 =	vsel vm10, v15, v8  }
0x19e: {  	v61 =	vor.u32 s28, v0;
	v60 =	vor.u32 s26, v0;
	[tilespmem:v14+s12+$0x0] =	vst.idx.msk vm13, v33;
	v18 =	vadd.s32 v18, v15  }
0x19f: {  	[tilespmem:v14+s13+$0x0] =	vst.idx.msk vm13, v60;
	vm13 =	veq.s32 v10, v13;
	v13 =	vtrunc.f32 v59;
	vm12 =	vlt.s32 v18, v8  }
0x1a0: {  	v13 =	vcvt.f32.s32 v13;
	[tilespmem:v12+s12+$0x0] =	vst.idx.msk vm14, v62;
	v62 =	vsel vm13, $0x1, v7;
	v14 =	vsel vm12, v18, v8  }
0x1a1: {  	[tilespmem:v12+s13+$0x0] =	vst.idx.msk vm14, v61;
	v12 =	vadd.s32 v62, v14  }
0x1a2: {  	s30 =	sadd.s32 $0x70, s17;
	vm15 =	veq.s32 v10, v13;
	[tilespmem:v56+s12+$0x0] =	vst.idx.msk vm9, v38;
	vm14 =	vlt.s32 v12, v8  }
0x1a3: {  	(xrf0) =	vmax.scan.msk.f32 $0xffff, v11;
	v11 =	vor.u32 s30, v0;
	[tilespmem:v15+s12+$0x0] =	vst.idx.msk vm11, v46;
	v12 =	vsel vm14, v12, v8  }
0x1a4: {  	[tilespmem:v15+s13+$0x0] =	vst.idx.msk vm11, v11  }
0x1a5: {  	s29 =	sadd.s32 $0x60, s17;
	s31 =	sadd.s32 $0x90, s17;
	v10 =	vcvt.s32.f32 v10;
	v11 =	vor.u32 s22, v0;
	[tilespmem:v14+s12+$0x0] =	vst.idx.msk vm13, v49  }
0x1a6: {  	v63 =	vor.u32 s29, v0;
	[tilespmem:v14+s13+$0x0] =	vst.idx.msk vm13, v11;
	v11 =	vor.u32 s31, v0  }
0x1a7: {  	v13 =	vadd.f32 $-1.000000000e+00, v10;
	v10 =	vadd.f32 $1.000000000e+00, v10;
	[tilespmem:v56+s13+$0x0] =	vst.idx.msk vm9, v63  }
0x1a8: {  	[tilespmem:v12+s12+$0x0] =	vst.idx.msk vm15, v52  }
0x1a9: {  	[tilespmem:v12+s13+$0x0] =	vst.idx.msk vm15, v11;
	v11, _, _ =	vpop (xrf0);
	v12 =	vadd.f32 $-1.920000000e+02, v13;
	v13 =	vadd.f32 $-1.920000000e+02, v10  }
0x1aa: {  	_ =	strace $0x9000004B  }
0x1ab: {  	s17 =	simm.s32 $0x0;
	v10 =	vmul.f32 v12, v5;
	v12 =	vmul.f32 v13, v5;
	_ =	strace $0x8000004C  }
.LBB2_15:
0x1ac: {  	s18 =	simm.s32 $0x1A940  }
0x1ad: {  	v14 =	vld [tilespmem:s18+$0xFFFFFFC0];
	_ =	sdelay $0x1  }
0x1ae: {  	v15 =	vld [tilespmem:s18+$0xFFFFFFD0];
	_ =	sdelay $0x2  }
0x1af: {  	v17 =	vld [tilespmem:s18+$0xFFFFFFE0];
	v13 =	vmul.f32 $1.442695020e+00, v14;
	_ =	sdelay $0x1  }
0x1b0: {  	v16 =	vmul.f32 $1.442695020e+00, v15;
	(erf) = vpow2.f32 v13  }
0x1b1: {  	v18 =	vld [tilespmem:s18+$0xFFFFFFF0]  }
0x1b2: {  	(erf) = vpow2.f32 v16  }
0x1b3: {  	v20 =	vld [tilespmem:s18+$0x0];
	v13 =	vmul.f32 $1.442695020e+00, v17;
	_ =	sdelay $0x1  }
0x1b4: {  	(erf) = vpow2.f32 v13;
	v13 =	vadd.f32 v12, v10  }
0x1b5: {  	v21 =	vld [tilespmem:s18+$0x10];
	v16 =	vmul.f32 $1.442695020e+00, v18  }
0x1b6: {  	v13 =	vmul.f32 $5.000000000e-01, v13  }
0x1b7: {  	v19 =	vmul.f32 $1.442695020e+00, v20;
	(erf) = vpow2.f32 v16  }
0x1b8: {  	vm0 =	vgt.f32 v14, v13;
	v14 =	vpop (erf)  }
0x1b9: {  	v22 =	vld [tilespmem:s18+$0x20];
	(erf) = vpow2.f32 v19;
	v19 =	vimm.f32 $0.0e+00;
	v14 =	vnsel vm0, $0x0, v14  }
0x1ba: {  	v16 =	vmul.f32 $1.442695020e+00, v21;
	vm9 =	vgt.f32 v15, v13;
	v15 =	vpop (erf);
	v14 =	vadd.f32 v14, v19  }
0x1bb: {  	v15 =	vnsel vm9, $0x0, v15  }
0x1bc: {  	v23 =	vld [tilespmem:s18+$0x30];
	(erf) = vpow2.f32 v16;
	v14 =	vadd.f32 v15, v14  }
0x1bd: {  	s19 =	simm.s32 $0x1A9C0  }
0x1be: {  	v24 =	vmul.f32 $1.442695020e+00, v22;
	vm10 =	vgt.f32 v17, v13;
	v19 =	vld [tilespmem:s19+$0xFFFFFFC0];
	v15 =	vpop (erf)  }
0x1bf: {  	v16 =	vld [tilespmem:s19+$0xFFFFFFD0];
	v15 =	vnsel vm10, $0x0, v15  }
0x1c0: {  	vm11 =	vgt.f32 v18, v13;
	(erf) = vpow2.f32 v24;
	v24 =	vadd.f32 v15, v14;
	v14 =	vpop (erf)  }
0x1c1: {  	v25 =	vmul.f32 $1.442695020e+00, v23;
	v18 =	vnsel vm11, $0x0, v14  }
0x1c2: {  	v17 =	vld [tilespmem:s19+$0xFFFFFFE0]  }
0x1c3: {  	(erf) = vpow2.f32 v25;
	v25 =	vmul.f32 $1.442695020e+00, v19  }
0x1c4: {  	vm12 =	vgt.f32 v20, v13;
	v20 =	vmul.f32 $1.442695020e+00, v16;
	v15 =	vld [tilespmem:s19+$0xFFFFFFF0];
	v24 =	vadd.f32 v18, v24;
	v18 =	vpop (erf)  }
0x1c5: {  	vm13 =	vgt.f32 v21, v13;
	(erf) = vpow2.f32 v25;
	v26 =	vnsel vm12, $0x0, v18;
	v21 =	vpop (erf)  }
0x1c6: {  	v14 =	vld [tilespmem:s19+$0x0];
	(erf) = vpow2.f32 v20;
	v24 =	vadd.f32 v26, v24;
	v20 =	vnsel vm13, $0x0, v21  }
0x1c7: {  	v25 =	vmul.f32 $1.442695020e+00, v17  }
0x1c8: {  	v18 =	vld [tilespmem:s19+$0x10];
	v24 =	vadd.f32 v20, v24  }
0x1c9: {  	vm14 =	vgt.f32 v22, v13;
	(erf) = vpow2.f32 v25;
	v21 =	vmul.f32 $1.442695020e+00, v15;
	v20 =	vpop (erf)  }
0x1ca: {  	v22 =	vnsel vm14, $0x0, v20;
	v20 =	vld [tilespmem:s19+$0x20]  }
0x1cb: {  	v25 =	vmul.f32 $1.442695020e+00, v14;
	(erf) = vpow2.f32 v21  }
0x1cc: {  	vm15 =	vgt.f32 v23, v13;
	v21 =	vld [tilespmem:s19+$0x30];
	v22 =	vadd.f32 v22, v24;
	v24 =	vpop (erf)  }
0x1cd: {  	s18 =	simm.s32 $0x80;
	(erf) = vpow2.f32 v25;
	v23 =	vmul.f32 $1.442695020e+00, v18;
	s19 =	simm.s32 $0x1AA40;
	v24 =	vnsel vm15, $0x0, v24  }
.LBB2_16:
0x1ce: {  	s18 =	sadd.s32 $0x80, s18;
	vm0 =	vgt.f32 v19, v13;
	v19 =	vld [tilespmem:s19+$0xFFFFFFC0];
	v25 =	vpop (erf);
	v22 =	vadd.f32 v24, v22  }
0x1cf: {  	p0 =	slt.u32 s18, $0x980;
	v24 =	vnsel vm0, $0x0, v25;
	v25 =	vmul.f32 $1.442695020e+00, v20;
	(erf) = vpow2.f32 v23  }
0x1d0: {  	vm0 =	vgt.f32 v16, v13;
	v22 =	vadd.f32 v24, v22;
	v16 =	vld [tilespmem:s19+$0xFFFFFFD0];
	v23 =	vpop (erf)  }
0x1d1: {  	v26 =	vnsel vm0, $0x0, v23;
	v24 =	vmul.f32 $1.442695020e+00, v21;
	(erf) = vpow2.f32 v25  }
0x1d2: {  	vm0 =	vgt.f32 v17, v13;
	v22 =	vadd.f32 v26, v22;
	v17 =	vld [tilespmem:s19+$0xFFFFFFE0];
	v23 =	vpop (erf)  }
0x1d3: {  	v25 =	vmul.f32 $1.442695020e+00, v19;
	v26 =	vnsel vm0, $0x0, v23;
	(erf) = vpow2.f32 v24  }
0x1d4: {  	vm0 =	vgt.f32 v15, v13;
	v22 =	vadd.f32 v26, v22;
	v15 =	vld [tilespmem:s19+$0xFFFFFFF0];
	v23 =	vpop (erf)  }
0x1d5: {  	v24 =	vmul.f32 $1.442695020e+00, v16;
	(erf) = vpow2.f32 v25;
	v25 =	vnsel vm0, $0x0, v23  }
0x1d6: {  	vm0 =	vgt.f32 v14, v13;
	v22 =	vadd.f32 v25, v22;
	v14 =	vld [tilespmem:s19+$0x0];
	v23 =	vpop (erf)  }
0x1d7: {  	v25 =	vmul.f32 $1.442695020e+00, v17;
	(erf) = vpow2.f32 v24;
	v24 =	vnsel vm0, $0x0, v23  }
0x1d8: {  	vm0 =	vgt.f32 v18, v13;
	v22 =	vadd.f32 v24, v22;
	v18 =	vld [tilespmem:s19+$0x10];
	v23 =	vpop (erf)  }
.Ltmp10:
0x1d9: {  	v26 =	vmul.f32 $1.442695020e+00, v15;
	(erf) = vpow2.f32 v25;
	v25 =	vnsel vm0, $0x0, v23;
	(pc) =	sbr.rel @p0 .LBB2_16-.Ltmp10, $4  }
0x1da: {  	vm0 =	vgt.f32 v20, v13;
	v22 =	vadd.f32 v25, v22;
	v20 =	vld [tilespmem:s19+$0x20];
	v23 =	vpop (erf)  }
0x1db: {  	v25 =	vmul.f32 $1.442695020e+00, v14;
	(erf) = vpow2.f32 v26;
	v23 =	vnsel vm0, $0x0, v23  }
0x1dc: {  	vm0 =	vgt.f32 v21, v13;
	v22 =	vadd.f32 v23, v22;
	v21 =	vld [tilespmem:s19+$0x30];
	v24 =	vpop (erf)  }
0x1dd: {  	s19 =	sadd.s32 $0x80, s19;
	v23 =	vmul.f32 $1.442695020e+00, v18;
	(erf) = vpow2.f32 v25;
	v24 =	vnsel vm0, $0x0, v24  }
0x1de: {  	vm0 =	vgt.f32 v19, v13;
	v59 =	vpop (erf);
	v22 =	vadd.f32 v24, v22  }
0x1df: {  	v19 =	vnsel vm0, $0x0, v59  }
0x1e0: {  	vm8 =	vgt.f32 v16, v13;
	v19 =	vadd.f32 v19, v22;
	v61 =	vpop (erf)  }
0x1e1: {  	(erf) = vpow2.f32 v23;
	v16 =	vnsel vm8, $0x0, v61  }
0x1e2: {  	vm9 =	vgt.f32 v17, v13;
	v16 =	vadd.f32 v16, v19;
	v63 =	vpop (erf)  }
0x1e3: {  	v60 =	vmul.f32 $1.442695020e+00, v20;
	v17 =	vnsel vm9, $0x0, v63  }
0x1e4: {  	vm10 =	vgt.f32 v15, v13;
	v16 =	vadd.f32 v17, v16;
	v15 =	vpop (erf)  }
0x1e5: {  	(erf) = vpow2.f32 v60;
	v15 =	vnsel vm10, $0x0, v15  }
0x1e6: {  	v15 =	vadd.f32 v15, v16  }
0x1e7: {  	v62 =	vmul.f32 $1.442695020e+00, v21  }
0x1e8: {  	vm11 =	vgt.f32 v14, v13;
	v14 =	vpop (erf)  }
0x1e9: {  	(erf) = vpow2.f32 v62;
	v14 =	vnsel vm11, $0x0, v14  }
0x1ea: {  	vm12 =	vgt.f32 v18, v13;
	v14 =	vadd.f32 v14, v15;
	v15 =	vpop (erf)  }
0x1eb: {  	v15 =	vnsel vm12, $0x0, v15;
	_ =	sdelay $0x2  }
0x1ec: {  	vm13 =	vgt.f32 v20, v13;
	v14 =	vadd.f32 v15, v14;
	v15 =	vpop (erf)  }
0x1ed: {  	v15 =	vnsel vm13, $0x0, v15;
	_ =	sdelay $0x2  }
0x1ee: {  	vm14 =	vgt.f32 v21, v13;
	v14 =	vadd.f32 v15, v14;
	v15 =	vpop (erf)  }
0x1ef: {  	v15 =	vnsel vm14, $0x0, v15  }
0x1f0: {  	v14 =	vadd.f32 v15, v14;
	_ =	sdelay $0x1  }
0x1f1: {  	(xrf2) =	vadd.scan.msk.f32 $0xffff, v14;
	_ =	sdelay $0x9  }
0x1f2: {  	s17 =	sadd.s32 $0x1, s17;
	v14, _, _ =	vpop (xrf2)  }
0x1f3: {  	p0 =	sne.s32 s17, $0x18;
	v14 =	vadd.f32 v14, v11  }
.Ltmp11:
0x1f4: {  	_ = 	snop;
	(pc) =	sbr.rel @p0 .LBB2_15-.Ltmp11, $3  }
0x1f5: {  	v14 =	vbroadcast v14, $0xF;
	_ =	sdelay $0x1  }
0x1f6: {  	vm15 =	vlt.f32 v14, v9  }
0x1f7: {  	v10 =	vsel vm15, v10, v13;
	v12 =	vsel vm15, v13, v12  }
0x1f8: {  	_ =	strace $0x9000004C;
	s18 =	simm.s32 $0x1A940  }
0x1f9: {  	v14 =	vld [tilespmem:s18+$0xFFFFFFC0]  }
0x1fa: {  	v16 =	vld [tilespmem:s18+$0xFFFFFFD0]  }
0x1fb: {  	v17 =	vld [tilespmem:s18+$0xFFFFFFE0]  }
0x1fc: {  	v15 =	vld [tilespmem:s18+$0xFFFFFFF0]  }
0x1fd: {  	v13 =	vld [tilespmem:s18+$0x0]  }
0x1fe: {  	v12 =	vld [tilespmem:s18+$0x10];
	vm0 =	vgt.f32 v14, v10  }
0x1ff: {  	v18 =	vimm.f32 $1.000000020e+30;
	v19 =	vnsel vm0, $0x7149F2CA, v14;
	vm0 =	vgt.f32 v16, v10;
	v14 =	vld [tilespmem:s18+$0x20]  }
0x200: {  	s17 =	simm.s32 $0x0;
	v18 =	vmin.f32 v18, v19;
	v19 =	vnsel vm0, $0x7149F2CA, v16;
	vm0 =	vgt.f32 v17, v10;
	v16 =	vld [tilespmem:s18+$0x30];
	s18 =	simm.s32 $0x1A9C0  }
.LBB2_19:
0x201: {  	v20 =	vld [tilespmem:s18+$0xFFFFFFC0];
	s17 =	sadd.s32 $0x80, s17;
	v18 =	vmin.f32 v18, v19;
	v17 =	vnsel vm0, $0x7149F2CA, v17;
	vm0 =	vgt.f32 v15, v10  }
0x202: {  	v19 =	vld [tilespmem:s18+$0xFFFFFFD0];
	p0 =	slt.u32 s17, $0x980;
	v18 =	vmin.f32 v18, v17;
	v15 =	vnsel vm0, $0x7149F2CA, v15;
	vm0 =	vgt.f32 v13, v10  }
0x203: {  	v17 =	vld [tilespmem:s18+$0xFFFFFFE0];
	v18 =	vmin.f32 v18, v15;
	v13 =	vnsel vm0, $0x7149F2CA, v13;
	vm0 =	vgt.f32 v12, v10  }
.Ltmp12:
0x204: {  	v15 =	vld [tilespmem:s18+$0xFFFFFFF0];
	v18 =	vmin.f32 v18, v13;
	v12 =	vnsel vm0, $0x7149F2CA, v12;
	vm0 =	vgt.f32 v14, v10;
	(pc) =	sbr.rel @p0 .LBB2_19-.Ltmp12, $4  }
0x205: {  	v13 =	vld [tilespmem:s18+$0x0];
	v18 =	vmin.f32 v18, v12;
	v14 =	vnsel vm0, $0x7149F2CA, v14;
	vm0 =	vgt.f32 v16, v10  }
0x206: {  	vm1 =	vgt.f32 v20, v10;
	v12 =	vld [tilespmem:s18+$0x10];
	v18 =	vmin.f32 v18, v14;
	v16 =	vnsel vm0, $0x7149F2CA, v16  }
0x207: {  	v20 =	vnsel vm1, $0x7149F2CA, v20;
	vm0 =	vgt.f32 v19, v10;
	v14 =	vld [tilespmem:s18+$0x20];
	v16 =	vmin.f32 v18, v16  }
0x208: {  	v18 =	vmin.f32 v16, v20;
	v19 =	vnsel vm0, $0x7149F2CA, v19;
	vm0 =	vgt.f32 v17, v10;
	v16 =	vld [tilespmem:s18+$0x30];
	s18 =	sadd.s32 $0x80, s18  }
0x209: {  	s17 =	simm.s32 $0x1A940  }
0x20a: {  	v18 =	vmin.f32 v18, v19;
	v17 =	vnsel vm0, $0x7149F2CA, v17;
	vm15 =	vgt.f32 v15, v10;
	v19 =	vld [tilespmem:s17+$0xFFFFFFC0]  }
0x20b: {  	v17 =	vmin.f32 v18, v17;
	v15 =	vnsel vm15, $0x7149F2CA, v15;
	vm4 =	vgt.f32 v13, v10  }
0x20c: {  	v15 =	vmin.f32 v17, v15;
	v13 =	vnsel vm4, $0x7149F2CA, v13;
	vm5 =	vgt.f32 v12, v10;
	v17 =	vld [tilespmem:s17+$0xFFFFFFD0]  }
0x20d: {  	v13 =	vmin.f32 v15, v13;
	v12 =	vnsel vm5, $0x7149F2CA, v12;
	vm6 =	vgt.f32 v14, v10  }
0x20e: {  	v12 =	vmin.f32 v13, v12;
	v13 =	vnsel vm6, $0x7149F2CA, v14;
	vm7 =	vgt.f32 v16, v10;
	v14 =	vld [tilespmem:s17+$0xFFFFFFE0]  }
0x20f: {  	v10 =	vmin.f32 v12, v13;
	v12 =	vnsel vm7, $0x7149F2CA, v16;
	v13 =	vmul.f32 $1.442695020e+00, v19  }
0x210: {  	v10 =	vmin.f32 v10, v12;
	v12 =	vld [tilespmem:s17+$0xFFFFFFF0]  }
0x211: {  	(xrf0) =	vmin.scan.msk.f32 $0xffff, v10;
	v10 =	vmul.f32 $1.442695020e+00, v17;
	(erf) = vpow2.f32 v13;
	_ =	sdelay $0x1  }
0x212: {  	v20 =	vld [tilespmem:s17+$0x10];
	v13 =	vmul.f32 $1.442695020e+00, v14;
	(erf) = vpow2.f32 v10  }
0x213: {  	v18 =	vld [tilespmem:s17+$0x0]  }
0x214: {  	v10 =	vmul.f32 $1.442695020e+00, v12;
	(erf) = vpow2.f32 v13;
	_ =	sdelay $0x1  }
0x215: {  	v13, _, _ =	vpop (xrf0);
	(erf) = vpow2.f32 v10  }
0x216: {  	v10 =	vbroadcast v13, $0xF;
	v13 =	vmul.f32 $1.442695020e+00, v20  }
0x217: {  	v21 =	vld [tilespmem:s17+$0x20];
	v15 =	vmul.f32 $1.442695020e+00, v18  }
0x218: {  	vm8 =	vgt.f32 v19, v10;
	v16 =	vpop (erf)  }
0x219: {  	(erf) = vpow2.f32 v15;
	v15 =	vimm.f32 $0.0e+00;
	v16 =	vnsel vm8, $0x0, v16  }
0x21a: {  	v22 =	vld [tilespmem:s17+$0x30];
	(erf) = vpow2.f32 v13;
	vm9 =	vgt.f32 v17, v10;
	v13 =	vpop (erf);
	v16 =	vadd.f32 v16, v15  }
0x21b: {  	s18 =	simm.s32 $0x1A9C0;
	v17 =	vnsel vm9, $0x0, v13  }
0x21c: {  	v19 =	vmul.f32 $1.442695020e+00, v21;
	vm10 =	vgt.f32 v14, v10;
	v15 =	vld [tilespmem:s18+$0xFFFFFFC0];
	v14 =	vpop (erf);
	v16 =	vadd.f32 v17, v16  }
0x21d: {  	v13 =	vld [tilespmem:s18+$0xFFFFFFD0];
	v14 =	vnsel vm10, $0x0, v14  }
0x21e: {  	(erf) = vpow2.f32 v19;
	v14 =	vadd.f32 v14, v16  }
0x21f: {  	v23 =	vmul.f32 $1.442695020e+00, v22  }
0x220: {  	vm11 =	vgt.f32 v12, v10;
	v17 =	vld [tilespmem:s18+$0xFFFFFFE0];
	v12 =	vpop (erf)  }
0x221: {  	(erf) = vpow2.f32 v23;
	v19 =	vnsel vm11, $0x0, v12;
	v23 =	vmul.f32 $1.442695020e+00, v15  }
0x222: {  	vm12 =	vgt.f32 v18, v10;
	v16 =	vld [tilespmem:s18+$0xFFFFFFF0];
	v18 =	vmul.f32 $1.442695020e+00, v13;
	v19 =	vadd.f32 v19, v14;
	v14 =	vpop (erf)  }
0x223: {  	vm13 =	vgt.f32 v20, v10;
	(erf) = vpow2.f32 v23;
	v20 =	vpop (erf)  }
0x224: {  	v12 =	vld [tilespmem:s18+$0x0];
	(erf) = vpow2.f32 v18;
	v24 =	vnsel vm12, $0x0, v14;
	v18 =	vnsel vm13, $0x0, v20  }
0x225: {  	v23 =	vmul.f32 $1.442695020e+00, v17;
	v19 =	vadd.f32 v24, v19  }
0x226: {  	vm14 =	vgt.f32 v21, v10;
	v14 =	vld [tilespmem:s18+$0x10]  }
0x227: {  	(erf) = vpow2.f32 v23;
	v20 =	vmul.f32 $1.442695020e+00, v16;
	v19 =	vadd.f32 v18, v19;
	v18 =	vpop (erf)  }
0x228: {  	v21 =	vnsel vm14, $0x0, v18;
	v18 =	vld [tilespmem:s18+$0x20]  }
0x229: {  	v23 =	vmul.f32 $1.442695020e+00, v12;
	(erf) = vpow2.f32 v20  }
0x22a: {  	vm15 =	vgt.f32 v22, v10;
	v22 =	vpop (erf);
	v20 =	vadd.f32 v21, v19;
	v19 =	vld [tilespmem:s18+$0x30]  }
0x22b: {  	s17 =	simm.s32 $0x80;
	(erf) = vpow2.f32 v23;
	v21 =	vmul.f32 $1.442695020e+00, v14;
	s18 =	simm.s32 $0x1AA40;
	v22 =	vnsel vm15, $0x0, v22  }
.LBB2_21:
0x22c: {  	s17 =	sadd.s32 $0x80, s17;
	vm0 =	vgt.f32 v15, v10;
	v15 =	vld [tilespmem:s18+$0xFFFFFFC0];
	v23 =	vpop (erf);
	v20 =	vadd.f32 v22, v20  }
0x22d: {  	p0 =	slt.u32 s17, $0x980;
	v22 =	vnsel vm0, $0x0, v23;
	v23 =	vmul.f32 $1.442695020e+00, v18;
	(erf) = vpow2.f32 v21  }
0x22e: {  	vm0 =	vgt.f32 v13, v10;
	v20 =	vadd.f32 v22, v20;
	v13 =	vld [tilespmem:s18+$0xFFFFFFD0];
	v21 =	vpop (erf)  }
0x22f: {  	v24 =	vnsel vm0, $0x0, v21;
	v22 =	vmul.f32 $1.442695020e+00, v19;
	(erf) = vpow2.f32 v23  }
0x230: {  	vm0 =	vgt.f32 v17, v10;
	v20 =	vadd.f32 v24, v20;
	v17 =	vld [tilespmem:s18+$0xFFFFFFE0];
	v21 =	vpop (erf)  }
0x231: {  	v23 =	vmul.f32 $1.442695020e+00, v15;
	v24 =	vnsel vm0, $0x0, v21;
	(erf) = vpow2.f32 v22  }
0x232: {  	vm0 =	vgt.f32 v16, v10;
	v20 =	vadd.f32 v24, v20;
	v16 =	vld [tilespmem:s18+$0xFFFFFFF0];
	v21 =	vpop (erf)  }
0x233: {  	v22 =	vmul.f32 $1.442695020e+00, v13;
	(erf) = vpow2.f32 v23;
	v23 =	vnsel vm0, $0x0, v21  }
0x234: {  	vm0 =	vgt.f32 v12, v10;
	v20 =	vadd.f32 v23, v20;
	v12 =	vld [tilespmem:s18+$0x0];
	v21 =	vpop (erf)  }
0x235: {  	v23 =	vmul.f32 $1.442695020e+00, v17;
	(erf) = vpow2.f32 v22;
	v22 =	vnsel vm0, $0x0, v21  }
0x236: {  	vm0 =	vgt.f32 v14, v10;
	v20 =	vadd.f32 v22, v20;
	v14 =	vld [tilespmem:s18+$0x10];
	v21 =	vpop (erf)  }
.Ltmp13:
0x237: {  	v24 =	vmul.f32 $1.442695020e+00, v16;
	(erf) = vpow2.f32 v23;
	v23 =	vnsel vm0, $0x0, v21;
	(pc) =	sbr.rel @p0 .LBB2_21-.Ltmp13, $4  }
0x238: {  	vm0 =	vgt.f32 v18, v10;
	v20 =	vadd.f32 v23, v20;
	v18 =	vld [tilespmem:s18+$0x20];
	v21 =	vpop (erf)  }
0x239: {  	v23 =	vmul.f32 $1.442695020e+00, v12;
	(erf) = vpow2.f32 v24;
	v21 =	vnsel vm0, $0x0, v21  }
0x23a: {  	vm0 =	vgt.f32 v19, v10;
	v20 =	vadd.f32 v21, v20;
	v19 =	vld [tilespmem:s18+$0x30];
	v22 =	vpop (erf)  }
0x23b: {  	s18 =	sadd.s32 $0x80, s18;
	v21 =	vmul.f32 $1.442695020e+00, v14;
	(erf) = vpow2.f32 v23;
	v22 =	vnsel vm0, $0x0, v22  }
0x23c: {  	_ =	sdelay $0x2  }
0x23d: {  	(erf) = vpow2.f32 v21;
	v21 =	vmul.f32 $1.442695020e+00, v19  }
0x23e: {  	v23 =	vmul.f32 $1.442695020e+00, v18;
	_ =	sdelay $0x1  }
0x23f: {  	(erf) = vpow2.f32 v23  }
0x240: {  	vm0 =	vgt.f32 v15, v10;
	v15 =	vadd.f32 v22, v20;
	(erf) = vpow2.f32 v21;
	v21 =	vpop (erf)  }
0x241: {  	v20 =	vnsel vm0, $0x0, v21  }
0x242: {  	v21 =	vpop (erf);
	vm0 =	vgt.f32 v13, v10;
	v15 =	vadd.f32 v20, v15  }
0x243: {  	v20 =	vnsel vm0, $0x0, v21  }
0x244: {  	v15 =	vadd.f32 v20, v15  }
0x245: {  	v13 =	vpop (erf);
	vm0 =	vgt.f32 v17, v10  }
0x246: {  	v17 =	vpop (erf);
	v13 =	vnsel vm0, $0x0, v13;
	vm0 =	vgt.f32 v16, v10  }
0x247: {  	v16 =	vnsel vm0, $0x0, v17;
	v20 =	vpop (erf)  }
0x248: {  	v13 =	vadd.f32 v13, v15;
	v15 =	vpop (erf)  }
0x249: {  	v17 =	vpop (erf)  }
0x24a: {  	vm0 =	vgt.f32 v12, v10;
	v13 =	vadd.f32 v16, v13;
	v16 =	vpop (erf)  }
0x24b: {  	s18 =	simm.s32 $0x1A940;
	v12 =	vnsel vm0, $0x0, v20;
	_ =	strace $0x8000004D  }
0x24c: {  	vm0 =	vgt.f32 v14, v10;
	v12 =	vadd.f32 v12, v13;
	v13 =	vld [tilespmem:s18+$0xFFFFFFC0]  }
0x24d: {  	v14 =	vnsel vm0, $0x0, v15;
	v20 =	vld [tilespmem:s18+$0xFFFFFFD0]  }
0x24e: {  	vm0 =	vgt.f32 v18, v10;
	v12 =	vadd.f32 v14, v12;
	v21 =	vld [tilespmem:s18+$0xFFFFFFE0]  }
0x24f: {  	v14 =	vnsel vm0, $0x0, v17;
	v15 =	vld [tilespmem:s18+$0xFFFFFFF0]  }
0x250: {  	vm0 =	vgt.f32 v19, v10;
	v14 =	vadd.f32 v14, v12;
	v12 =	vld [tilespmem:s18+$0x0]  }
0x251: {  	v16 =	vnsel vm0, $0x0, v16;
	vm0 =	veq.f32 v13, v10;
	v13 =	vld [tilespmem:s18+$0x10]  }
0x252: {  	v17 =	vadd.f32 v16, v14;
	v14 =	vld [tilespmem:s18+$0x20];
	v18 =	vmpcnt.ones.xlane vm0;
	vm0 =	veq.f32 v20, v10  }
0x253: {  	s17 =	simm.s32 $0x0;
	v16 =	vld [tilespmem:s18+$0x30];
	s18 =	simm.s32 $0x1A9C0;
	v20 =	vimm.s32 $0x0;
	v19 =	vmpcnt.ones.xlane vm0;
	vm0 =	veq.f32 v21, v10  }
.LBB2_23:
0x254: {  	v21 =	vld [tilespmem:s18+$0xFFFFFFC0];
	s17 =	sadd.s32 $0x80, s17;
	v18 =	vadd.s32 v20, v18;
	v20 =	vmpcnt.ones.xlane vm0;
	vm0 =	veq.f32 v15, v10  }
0x255: {  	v22 =	vld [tilespmem:s18+$0xFFFFFFD0];
	p0 =	slt.u32 s17, $0x980;
	v15 =	vadd.s32 v19, v18;
	v18 =	vmpcnt.ones.xlane vm0;
	vm0 =	veq.f32 v12, v10  }
0x256: {  	v23 =	vld [tilespmem:s18+$0xFFFFFFE0];
	v12 =	vadd.s32 v20, v15;
	v19 =	vmpcnt.ones.xlane vm0;
	vm0 =	veq.f32 v13, v10  }
.Ltmp14:
0x257: {  	v15 =	vld [tilespmem:s18+$0xFFFFFFF0];
	v13 =	vadd.s32 v18, v12;
	v18 =	vmpcnt.ones.xlane vm0;
	vm0 =	veq.f32 v14, v10;
	(pc) =	sbr.rel @p0 .LBB2_23-.Ltmp14, $4  }
0x258: {  	v12 =	vld [tilespmem:s18+$0x0];
	v14 =	vadd.s32 v19, v13;
	v19 =	vmpcnt.ones.xlane vm0;
	vm0 =	veq.f32 v16, v10  }
0x259: {  	vm1 =	veq.f32 v21, v10;
	v13 =	vld [tilespmem:s18+$0x10];
	v16 =	vadd.s32 v18, v14;
	v20 =	vmpcnt.ones.xlane vm0  }
0x25a: {  	v18 =	vmpcnt.ones.xlane vm1;
	vm0 =	veq.f32 v22, v10;
	v14 =	vld [tilespmem:s18+$0x20];
	v21 =	vadd.s32 v19, v16  }
0x25b: {  	v19 =	vmpcnt.ones.xlane vm0;
	vm0 =	veq.f32 v23, v10;
	v16 =	vld [tilespmem:s18+$0x30];
	s18 =	sadd.s32 $0x80, s18;
	v20 =	vadd.s32 v20, v21  }
0x25c: {  	v21 =	vmul.f32 $1.442695020e+00, v10;
	_ =	sdelay $0x1  }
0x25d: {  	(erf) = vpow2.f32 v21;
	_ =	sdelay $0x2  }
0x25e: {  	(xrf2) =	vadd.scan.msk.f32 $0xffff, v17;
	_ =	sdelay $0x5  }
0x25f: {  	v52 =	vpop (erf)  }
0x260: {  	(erf) = vrcp.f32 v52;
	_ =	sdelay $0x2  }
0x261: {  	v53, _, _ =	vpop (xrf2)  }
0x262: {  	v11 =	vadd.f32 v53, v11  }
0x263: {  	v54 =	vadd.s32 v20, v18  }
0x264: {  	v55 =	vmpcnt.ones.xlane vm0;
	vm9 =	veq.f32 v15, v10;
	v11 =	vbroadcast v11, $0xF  }
0x265: {  	v56 =	vadd.s32 v19, v54;
	v57 =	vmpcnt.ones.xlane vm9  }
0x266: {  	v58 =	vadd.s32 v55, v56;
	v9 =	vsub.f32 v9, v11  }
0x267: {  	vm10 =	veq.f32 v12, v10;
	vm11 =	veq.f32 v13, v10;
	v12 =	vadd.s32 v57, v58;
	v59 =	vpop (erf)  }
0x268: {  	vm12 =	veq.f32 v14, v10;
	v11 =	vmpcnt.ones.xlane vm10;
	v9 =	vmul.f32 v9, v59  }
0x269: {  	v60 =	vmpcnt.ones.xlane vm11;
	v61 =	vmpcnt.ones.xlane vm12;
	vm13 =	veq.f32 v16, v10  }
0x26a: {  	v62 =	vmpcnt.ones.xlane vm13;
	v11 =	vadd.s32 v11, v12;
	v13 =	vtrunc.f32 v9  }
0x26b: {  	v11 =	vadd.s32 v60, v11;
	v63 =	vcvt.f32.s32 v13;
	vm14 =	vgt.f32 v9, v13  }
0x26c: {  	v9 =	vadd.s32 v61, v11;
	v11 =	vsel vm14, $0x1, v7  }
0x26d: {  	v12 =	vadd.s32 v62, v9;
	v9 =	vadd.s32 v63, v11  }
0x26e: {  	vm15 =	vge.s32 v9, v12  }
0x26f: {  	v11 =	vsel vm15, $0x1, v7  }
0x270: {  	v11 =	vor.u32 $0x80000000, v11  }
0x271: {  	(xrf0) =	vmax.scan.msk.u32 $0xffff, v11;
	_ =	sdelay $0x5  }
0x272: {  	v11, _, _ =	vpop (xrf0)  }
0x273: {  	(v2sf) =	vpush v11, $0xF;
	_ =	sdelay $0xe  }
0x274: {  	s17 =	spop (v2sf)  }
0x275: {  	s17 =	sxor.u32 $0x80000000, s17  }
0x276: {  	p0 =	slt.s32 s17, $0x1  }
.Ltmp15:
0x277: {  	_ = 	snop;
	(pc) =	sbr.rel @p0 .LBB2_25-.Ltmp15, $1  }
0x278: {  	_ =	sdelay $0x3  }
.Ltmp16:
0x279: {  	(pc) =	sbr.rel .LBB2_30-.Ltmp16, $3  }
0x27a: {  	_ =	sdelay $0x1  }
0x27b: {  	_ =	strace $0x9000004D  }
0x27c: {  	_ =	strace $0x8000004E  }
.LBB2_25:
0x27d: {  	s17 =	simm.s32 $0x0;
	v11 =	vimm.s32 $0xFFFFFFFF  }
.LBB2_26:
0x27e: {  	s19 =	simm.s32 $0x1A940  }
0x27f: {  	s18 =	simm.s32 $0x1B3C0;
	v12 =	vld [tilespmem:s19+$0xFFFFFFC0]  }
0x280: {  	v13 =	vld [tilespmem:s18+$0xFFFFFFC0]  }
0x281: {  	v14 =	vld [tilespmem:s19+$0xFFFFFFD0]  }
0x282: {  	v15 =	vld [tilespmem:s18+$0xFFFFFFD0]  }
0x283: {  	v16 =	vld [tilespmem:s19+$0xFFFFFFE0]  }
0x284: {  	v17 =	vld [tilespmem:s18+$0xFFFFFFE0]  }
0x285: {  	vm0 =	veq.f32 v12, v10;
	vm1 =	vgt.s32 v13, v11;
	v12 =	vld [tilespmem:s19+$0xFFFFFFF0]  }
0x286: {  	v18 =	vimm.s32 $0x186A1;
	v19 =	vld [tilespmem:s18+$0xFFFFFFF0];
	vm0 =	vmand vm0, vm1  }
0x287: {  	v20 =	vld [tilespmem:s19+$0x0];
	vm1 =	veq.f32 v14, v10;
	v14 =	vnsel vm0, $0x186A1, v13;
	vm0 =	vgt.s32 v15, v11  }
0x288: {  	v13 =	vld [tilespmem:s18+$0x0];
	vm2 =	vlt.s32 v18, v14;
	vm0 =	vmand vm1, vm0;
	vm1 =	veq.f32 v16, v10  }
0x289: {  	v21 =	vld [tilespmem:s19+$0x10];
	v14 =	vsel vm2, v18, v14;
	v15 =	vnsel vm0, $0x186A1, v15;
	vm0 =	vgt.s32 v17, v11  }
0x28a: {  	vm2 =	vlt.s32 v14, v15;
	vm0 =	vmand vm1, vm0;
	vm1 =	veq.f32 v12, v10;
	v12 =	vld [tilespmem:s18+$0x10]  }
0x28b: {  	v16 =	vld [tilespmem:s19+$0x20];
	v15 =	vsel vm2, v14, v15;
	v17 =	vnsel vm0, $0x186A1, v17;
	vm0 =	vgt.s32 v19, v11  }
0x28c: {  	vm3 =	veq.f32 v20, v10;
	v14 =	vld [tilespmem:s18+$0x20];
	vm2 =	vlt.s32 v15, v17;
	vm0 =	vmand vm1, vm0  }
0x28d: {  	v18 =	vsel vm2, v15, v17;
	v19 =	vnsel vm0, $0x186A1, v19;
	vm0 =	vgt.s32 v13, v11;
	v17 =	vld [tilespmem:s19+$0x30]  }
0x28e: {  	s20 =	simm.s32 $0x1A9C0;
	s19 =	simm.s32 $0x0;
	v15 =	vld [tilespmem:s18+$0x30];
	vm1 =	vlt.s32 v18, v19;
	vm2 =	vmand vm3, vm0;
	vm0 =	veq.f32 v21, v10  }
.LBB2_27:
0x28f: {  	v20 =	vld [tilespmem:s20+$0xFFFFFFC0];
	v18 =	vsel vm1, v18, v19;
	v13 =	vnsel vm2, $0x186A1, v13;
	vm1 =	vgt.s32 v12, v11;
	s18 =	sadd.s32 $0x80, s18  }
0x290: {  	s19 =	sadd.s32 $0x80, s19;
	v19 =	vld [tilespmem:s18+$0xFFFFFFC0];
	vm2 =	vlt.s32 v18, v13;
	vm0 =	vmand vm0, vm1;
	vm1 =	veq.f32 v16, v10  }
0x291: {  	p1 =	slt.u32 s19, $0x980;
	v16 =	vld [tilespmem:s20+$0xFFFFFFD0];
	v13 =	vsel vm2, v18, v13;
	v12 =	vnsel vm0, $0x186A1, v12;
	vm0 =	vgt.s32 v14, v11  }
0x292: {  	v18 =	vld [tilespmem:s18+$0xFFFFFFD0];
	vm2 =	vlt.s32 v13, v12;
	vm0 =	vmand vm1, vm0;
	vm1 =	veq.f32 v17, v10  }
0x293: {  	v17 =	vld [tilespmem:s20+$0xFFFFFFE0];
	v12 =	vsel vm2, v13, v12;
	v13 =	vnsel vm0, $0x186A1, v14;
	vm0 =	vgt.s32 v15, v11  }
0x294: {  	vm2 =	veq.f32 v20, v10;
	v14 =	vld [tilespmem:s18+$0xFFFFFFE0];
	vm3 =	vlt.s32 v12, v13;
	vm0 =	vmand vm1, vm0  }
0x295: {  	vm1 =	vgt.s32 v19, v11;
	v20 =	vld [tilespmem:s20+$0xFFFFFFF0];
	v12 =	vsel vm3, v12, v13;
	v13 =	vnsel vm0, $0x186A1, v15  }
0x296: {  	vm0 =	vmand vm2, vm1;
	vm1 =	veq.f32 v16, v10;
	v15 =	vld [tilespmem:s18+$0xFFFFFFF0];
	vm2 =	vlt.s32 v12, v13  }
0x297: {  	v16 =	vnsel vm0, $0x186A1, v19;
	vm0 =	vgt.s32 v18, v11;
	v19 =	vld [tilespmem:s20+$0x0];
	v12 =	vsel vm2, v12, v13  }
0x298: {  	vm2 =	vlt.s32 v12, v16;
	vm0 =	vmand vm1, vm0;
	vm1 =	veq.f32 v17, v10;
	v13 =	vld [tilespmem:s18+$0x0]  }
0x299: {  	v16 =	vsel vm2, v12, v16;
	v17 =	vnsel vm0, $0x186A1, v18;
	vm0 =	vgt.s32 v14, v11;
	v21 =	vld [tilespmem:s20+$0x10]  }
.Ltmp17:
0x29a: {  	vm2 =	vlt.s32 v16, v17;
	vm0 =	vmand vm1, vm0;
	vm1 =	veq.f32 v20, v10;
	v12 =	vld [tilespmem:s18+$0x10];
	(pc) =	sbr.rel @p1 .LBB2_27-.Ltmp17, $4  }
0x29b: {  	v17 =	vsel vm2, v16, v17;
	v18 =	vnsel vm0, $0x186A1, v14;
	vm0 =	vgt.s32 v15, v11;
	v16 =	vld [tilespmem:s20+$0x20]  }
0x29c: {  	vm2 =	vlt.s32 v17, v18;
	vm0 =	vmand vm1, vm0;
	vm3 =	veq.f32 v19, v10;
	v14 =	vld [tilespmem:s18+$0x20]  }
0x29d: {  	v18 =	vsel vm2, v17, v18;
	v19 =	vnsel vm0, $0x186A1, v15;
	vm0 =	vgt.s32 v13, v11;
	v17 =	vld [tilespmem:s20+$0x30]  }
0x29e: {  	s20 =	sadd.s32 $0x80, s20;
	vm1 =	vlt.s32 v18, v19;
	vm2 =	vmand vm3, vm0;
	vm0 =	veq.f32 v21, v10;
	v15 =	vld [tilespmem:s18+$0x30]  }
0x29f: {  	v18 =	vsel vm1, v18, v19;
	v13 =	vnsel vm2, $0x186A1, v13;
	vm10 =	vgt.s32 v12, v11  }
0x2a0: {  	vm2 =	vlt.s32 v18, v13;
	vm0 =	vmand vm0, vm10;
	vm11 =	veq.f32 v16, v10  }
0x2a1: {  	v13 =	vsel vm2, v18, v13;
	v60 =	vnsel vm0, $0x186A1, v12;
	vm12 =	vgt.s32 v14, v11  }
0x2a2: {  	vm2 =	vlt.s32 v13, v60;
	vm0 =	vmand vm11, vm12;
	vm13 =	veq.f32 v17, v10  }
0x2a3: {  	v12 =	vsel vm2, v13, v60;
	v61 =	vnsel vm0, $0x186A1, v14;
	vm14 =	vgt.s32 v15, v11  }
0x2a4: {  	vm2 =	vlt.s32 v12, v61;
	vm0 =	vmand vm13, vm14  }
0x2a5: {  	v12 =	vsel vm2, v12, v61;
	v62 =	vnsel vm0, $0x186A1, v15  }
0x2a6: {  	vm0 =	vlt.s32 v12, v62  }
0x2a7: {  	v12 =	vsel vm0, v12, v62  }
0x2a8: {  	v12 =	vxor.u32 $0x80000000, v12  }
0x2a9: {  	(xrf0) =	vmin.scan.msk.u32 $0xffff, v12;
	_ =	sdelay $0x5  }
0x2aa: {  	v12, _, _ =	vpop (xrf0)  }
0x2ab: {  	(v2sf) =	vpush v12, $0xF;
	_ =	sdelay $0xa  }
0x2ac: {  	v63 =	vmov s17;
	s17 =	sadd.s32 $0x1, s17  }
0x2ad: {  	p1 =	sne.s32 s17, $0x10  }
.Ltmp18:
0x2ae: {  	_ = 	snop;
	(pc) =	sbr.rel @p1 .LBB2_26-.Ltmp18, $4  }
0x2af: {  	_ = 	snop  }
0x2b0: {  	s18 =	spop (v2sf)  }
0x2b1: {  	vm15 =	vlt.s32 v63, v9;
	s18 =	sxor.u32 $0x80000000, s18  }
0x2b2: {  	v11 =	vsel vm15, s18, v11  }
.Ltmp19:
0x2b3: {  	(pc) =	sbr.rel @p0 .LBB2_33-.Ltmp19, $4  }
0x2b4: {  	_ = 	snop  }
0x2b5: {  	[tilespmem:$0x1BE00] =	vst v11  }
0x2b6: {  	_ =	strace $0x9000004D  }
0x2b7: {  	_ =	strace $0x8000004E  }
.LBB2_30:
0x2b8: {  	s17 =	simm.s32 $0x50;
	s18 =	simm.s32 $0x0  }
0x2b9: {  	s19 =	sand.u32 $0x1FFE0, s18;
	v13 =	vld [tilespmem:s17+$0x40]  }
0x2ba: {  	v14 =	vld [tilespmem:s19+$0x80]  }
0x2bb: {  	v16 =	vld [tilespmem:s17+$0xFFFFFFB0]  }
0x2bc: {  	v15 =	vld [tilespmem:s17+$0xFFFFFFC0]  }
0x2bd: {  	v12 =	vld [tilespmem:s17+$0xFFFFFFD0]  }
0x2be: {  	v11 =	vld [tilespmem:s17+$0xFFFFFFE0];
	vm0 =	vge.f32 v13, v10  }
0x2bf: {  	v9 =	vld [tilespmem:s17+$0xFFFFFFF0];
	vm1 =	vge.f32 v14, v10;
	v17 =	vnsel vm0, $0xFF800000, v13  }
0x2c0: {  	vm0 =	vge.f32 v16, v10;
	v13 =	vld [tilespmem:s17+$0x0];
	v18 =	vnsel vm1, $0xFF800000, v14;
	[tilespmem:s17+$0x40] =	vst v17  }
0x2c1: {  	v16 =	vnsel vm0, $0xFF800000, v16;
	vm0 =	vge.f32 v15, v10;
	v14 =	vld [tilespmem:s17+$0x10];
	[tilespmem:s19+$0x80] =	vst v18;
	s19 =	simm.s32 $0x50  }
.LBB2_31:
0x2c2: {  	s18 =	sadd.s32 $0xA0, s18;
	[tilespmem:s17+$0xFFFFFFB0] =	vst v16;
	v15 =	vnsel vm0, $0xFF800000, v15;
	vm0 =	vge.f32 v12, v10;
	v16 =	vld [tilespmem:s17+$0x20];
	s19 =	sadd.s32 $0xA0, s19  }
0x2c3: {  	s20 =	sand.u32 $0x1FFE0, s18;
	v17 =	vld [tilespmem:s19+$0x40];
	p0 =	slt.u32 s18, $0x18600;
	[tilespmem:s17+$0xFFFFFFC0] =	vst v15;
	v12 =	vnsel vm0, $0xFF800000, v12;
	vm0 =	vge.f32 v11, v10  }
0x2c4: {  	v18 =	vld [tilespmem:s20+$0x80];
	[tilespmem:s17+$0xFFFFFFD0] =	vst v12;
	v11 =	vnsel vm0, $0xFF800000, v11;
	vm0 =	vge.f32 v9, v10  }
0x2c5: {  	v19 =	vld [tilespmem:s19+$0xFFFFFFB0];
	[tilespmem:s17+$0xFFFFFFE0] =	vst v11;
	v9 =	vnsel vm0, $0xFF800000, v9;
	vm0 =	vge.f32 v13, v10  }
0x2c6: {  	v15 =	vld [tilespmem:s19+$0xFFFFFFC0];
	[tilespmem:s17+$0xFFFFFFF0] =	vst v9;
	v9 =	vnsel vm0, $0xFF800000, v13;
	vm0 =	vge.f32 v14, v10  }
.Ltmp20:
0x2c7: {  	v12 =	vld [tilespmem:s19+$0xFFFFFFD0];
	[tilespmem:s17+$0x0] =	vst v9;
	v9 =	vnsel vm0, $0xFF800000, v14;
	vm0 =	vge.f32 v16, v10;
	(pc) =	sbr.rel @p0 .LBB2_31-.Ltmp20, $4  }
0x2c8: {  	v11 =	vld [tilespmem:s19+$0xFFFFFFE0];
	vm1 =	vge.f32 v17, v10;
	[tilespmem:s17+$0x10] =	vst v9;
	v13 =	vnsel vm0, $0xFF800000, v16  }
0x2c9: {  	v9 =	vld [tilespmem:s19+$0xFFFFFFF0];
	vm0 =	vge.f32 v18, v10;
	v14 =	vnsel vm1, $0xFF800000, v17;
	[tilespmem:s17+$0x20] =	vst v13;
	s17 =	smov.u32 s19  }
0x2ca: {  	vm1 =	vge.f32 v19, v10;
	v13 =	vld [tilespmem:s19+$0x0];
	v17 =	vnsel vm0, $0xFF800000, v18;
	[tilespmem:s19+$0x40] =	vst v14  }
0x2cb: {  	v16 =	vnsel vm1, $0xFF800000, v19;
	vm0 =	vge.f32 v15, v10;
	v14 =	vld [tilespmem:s19+$0x10];
	[tilespmem:s20+$0x80] =	vst v17  }
0x2cc: {  	[tilespmem:s17+$0xFFFFFFB0] =	vst v16;
	v15 =	vnsel vm0, $0xFF800000, v15;
	vm10 =	vge.f32 v12, v10;
	v63 =	vld [tilespmem:s17+$0x20]  }
0x2cd: {  	[tilespmem:s17+$0xFFFFFFC0] =	vst v15;
	v12 =	vnsel vm10, $0xFF800000, v12;
	vm11 =	vge.f32 v11, v10  }
0x2ce: {  	[tilespmem:s17+$0xFFFFFFD0] =	vst v12;
	v11 =	vnsel vm11, $0xFF800000, v11;
	vm12 =	vge.f32 v9, v10  }
.Ltmp21:
0x2cf: {  	[tilespmem:s17+$0xFFFFFFE0] =	vst v11;
	v9 =	vnsel vm12, $0xFF800000, v9;
	vm13 =	vge.f32 v13, v10;
	(pc) =	sbr.rel .LBB2_36-.Ltmp21, $4  }
0x2d0: {  	[tilespmem:s17+$0xFFFFFFF0] =	vst v9;
	v9 =	vnsel vm13, $0xFF800000, v13;
	vm14 =	vge.f32 v14, v10  }
0x2d1: {  	[tilespmem:s17+$0x0] =	vst v9;
	v9 =	vnsel vm14, $0xFF800000, v14;
	vm15 =	vge.f32 v63, v10  }
0x2d2: {  	[tilespmem:s17+$0x10] =	vst v9;
	v9 =	vnsel vm15, $0xFF800000, v63  }
0x2d3: {  	[tilespmem:s17+$0x20] =	vst v9  }
.LBB2_33:
0x2d4: {  	v9 =	vld [tilespmem:$0x1BE00]  }
0x2d5: {  	s18 =	simm.s32 $0x0  }
0x2d6: {  	s17 =	simm.s32 $0x50;
	s19 =	simm.s32 $0x10;
	s20 =	simm.s32 $0x20  }
0x2d7: {  	s21 =	simm.s32 $0x30;
	s23 =	simm.s32 $0x40;
	s24 =	simm.s32 $0x50;
	v11 =	vor.u32 s18, v0;
	v12 =	vor.u32 s19, v0;
	v13 =	vor.u32 s20, v0;
	v16 =	vld [tilespmem:s17+$0x40]  }
0x2d8: {  	s22 =	simm.s32 $0x80;
	s25 =	simm.s32 $0x60;
	v14 =	vor.u32 s21, v0;
	v15 =	vor.u32 s23, v0;
	v17 =	vor.u32 s24, v0  }
0x2d9: {  	s30 =	simm.s32 $0x70;
	s29 =	sand.u32 $0x3FF80, s22;
	s18 =	sand.u32 $0x60, s18;
	v18 =	vor.u32 s25, v0;
	v19 =	vld [tilespmem:s17+$0xFFFFFFD0];
	vm0 =	vle.s32 v11, v9;
	vm2 =	vle.s32 v12, v9  }
0x2da: {  	s31 =	simm.s32 $0x90;
	s18 =	sor.u32 s18, s29;
	v11 =	vld [tilespmem:s17+$0xFFFFFFC0];
	vm4 =	vle.s32 v13, v9;
	v13 =	vor.u32 s30, v0;
	vm6 =	vle.s32 v14, v9  }
0x2db: {  	v12 =	vld [tilespmem:s18+$0x0];
	vm7 =	vle.s32 v15, v9;
	vm3 =	vle.s32 v13, v9;
	v13 =	vor.u32 s31, v0  }
0x2dc: {  	v14 =	vld [tilespmem:s17+$0xFFFFFFE0];
	v15 =	vor.u32 s22, v0;
	vm12 =	veq.f32 v16, v10;
	vm10 =	vle.s32 v13, v9  }
0x2dd: {  	vm11 =	vgt.f32 v16, v10;
	vm14 =	vle.s32 v15, v9;
	v15 =	vld [tilespmem:s17+$0xFFFFFFB0];
	vm10 =	vmand vm10, vm12  }
0x2de: {  	vm5 =	vle.s32 v17, v9;
	vm8 =	vle.s32 v18, v9;
	v17 =	vld [tilespmem:s17+$0xFFFFFFF0];
	vm10 =	vmor vm11, vm10  }
0x2df: {  	v13 =	vld [tilespmem:s17+$0x0];
	vm11 =	veq.f32 v19, v10;
	vm1 =	vgt.f32 v11, v10;
	vm9 =	veq.f32 v11, v10  }
0x2e0: {  	v20 =	vld [tilespmem:s17+$0x20];
	vm13 =	veq.f32 v12, v10;
	vm12 =	vgt.f32 v12, v10;
	v16 =	vnsel vm10, $0xFF800000, v16  }
0x2e1: {  	vm10 =	veq.f32 v14, v10;
	vm4 =	vmand vm4, vm11;
	vm13 =	vmand vm14, vm13  }
0x2e2: {  	v63 =	vld [tilespmem:s17+$0x10];
	vm2 =	vmand vm2, vm9;
	vm6 =	vmand vm6, vm10;
	vm14 =	veq.f32 v15, v10  }
0x2e3: {  	vm11 =	vgt.f32 v15, v10;
	vm9 =	vgt.f32 v19, v10;
	vm10 =	vgt.f32 v14, v10  }
0x2e4: {  	vm12 =	vmor vm12, vm13;
	vm13 =	veq.f32 v17, v10;
	vm15 =	veq.f32 v13, v10  }
0x2e5: {  	vm0 =	vmand vm0, vm14;
	vm1 =	vmor vm1, vm2;
	vm2 =	vgt.f32 v20, v10  }
0x2e6: {  	vm4 =	vmor vm9, vm4;
	vm6 =	vmor vm10, vm6;
	v12 =	vnsel vm12, $0xFF800000, v12  }
0x2e7: {  	vm7 =	vmand vm7, vm13;
	vm12 =	veq.f32 v63, v10;
	vm5 =	vmand vm5, vm15  }
0x2e8: {  	vm13 =	veq.f32 v20, v10;
	vm0 =	vmor vm11, vm0;
	vm15 =	vgt.f32 v63, v10  }
0x2e9: {  	[tilespmem:s17+$0x40] =	vst v16;
	v11 =	vnsel vm1, $0xFF800000, v11;
	v16 =	vnsel vm4, $0xFF800000, v19;
	vm8 =	vmand vm8, vm12  }
0x2ea: {  	vm3 =	vmand vm3, vm13;
	vm12 =	vgt.f32 v17, v10;
	vm13 =	vgt.f32 v13, v10  }
0x2eb: {  	s26 =	simm.s32 $0xE0;
	[tilespmem:s18+$0x0] =	vst v12;
	v12 =	vnsel vm0, $0xFF800000, v15;
	v15 =	vnsel vm6, $0xFF800000, v14;
	vm7 =	vmor vm12, vm7  }
0x2ec: {  	s28 =	simm.s32 $0xF0;
	s19 =	simm.s32 $0xA0;
	s23 =	simm.s32 $0xB0;
	[tilespmem:s17+$0xFFFFFFC0] =	vst v11;
	vm5 =	vmor vm13, vm5;
	vm8 =	vmor vm15, vm8;
	vm2 =	vmor vm2, vm3  }
0x2ed: {  	s24 =	simm.s32 $0xC0;
	s25 =	simm.s32 $0x100;
	s21 =	simm.s32 $0x120;
	[tilespmem:s17+$0xFFFFFFB0] =	vst v12;
	v14 =	vnsel vm7, $0xFF800000, v17;
	v12 =	vnsel vm5, $0xFF800000, v13;
	v17 =	vor.u32 s19, v0  }
0x2ee: {  	s20 =	simm.s32 $0x140;
	s22 =	simm.s32 $0xD0;
	[tilespmem:s17+$0xFFFFFFD0] =	vst v16;
	s18 =	simm.s32 $0xF0;
	v13 =	vnsel vm8, $0xFF800000, v63;
	v11 =	vnsel vm2, $0xFF800000, v20;
	vm0 =	vle.s32 v17, v9  }
.LBB2_34:
0x2ef: {  	v16 =	vld [tilespmem:s18+$0xFFFFFFC0];
	v17 =	vor.u32 s23, v0  }
0x2f0: {  	p0 =	slt.u32 s20, $0x18600;
	v18 =	vor.u32 s24, v0;
	v19 =	vor.u32 s22, v0;
	s22 =	sand.u32 $0x3FF80, s21;
	s23 =	sand.u32 $0x60, s19;
	[tilespmem:s17+$0xFFFFFFE0] =	vst v15;
	v15 =	vor.u32 s26, v0  }
0x2f1: {  	v20 =	vor.u32 s28, v0;
	v21 =	vor.u32 s25, v0;
	s24 =	sadd.s32 $0x70, s19;
	s22 =	sor.u32 s23, s22;
	v22 =	vld [tilespmem:s18+$0x40];
	[tilespmem:s17+$0xFFFFFFF0] =	vst v14  }
0x2f2: {  	vm2 =	vle.s32 v17, v9;
	vm3 =	vle.s32 v18, v9;
	v14 =	vor.u32 s24, v0;
	v17 =	vld [tilespmem:s22+$0x0];
	[tilespmem:s17+$0x0] =	vst v12  }
0x2f3: {  	vm6 =	vle.s32 v19, v9;
	vm7 =	vle.s32 v15, v9;
	vm4 =	vle.s32 v20, v9;
	s23 =	sadd.s32 $0x90, s19;
	s19 =	smov.u32 s20;
	v12 =	vld [tilespmem:s18+$0xFFFFFFD0];
	[tilespmem:s17+$0x10] =	vst v13  }
0x2f4: {  	vm8 =	vle.s32 v21, v9;
	vm5 =	vle.s32 v14, v9;
	v14 =	vor.u32 s23, v0;
	v13 =	vld [tilespmem:s18+$0xFFFFFFE0];
	[tilespmem:s17+$0x20] =	vst v11;
	s17 =	smov.u32 s18  }
0x2f5: {  	vm10 =	vle.s32 v14, v9;
	vm1 =	vgt.f32 v16, v10;
	vm9 =	veq.f32 v16, v10;
	v11 =	vld [tilespmem:s18+$0xFFFFFFF0]  }
0x2f6: {  	v14 =	vor.u32 s21, v0;
	v18 =	vld [tilespmem:s18+$0x0];
	vm11 =	vgt.f32 v22, v10;
	vm12 =	veq.f32 v22, v10  }
0x2f7: {  	vm14 =	vle.s32 v14, v9;
	v19 =	vld [tilespmem:s18+$0x10];
	vm13 =	veq.f32 v17, v10;
	vm10 =	vmand vm10, vm12  }
0x2f8: {  	vm12 =	vgt.f32 v17, v10;
	v20 =	vld [tilespmem:s18+$0x20];
	vm13 =	vmand vm14, vm13;
	vm10 =	vmor vm11, vm10  }
0x2f9: {  	vm11 =	veq.f32 v12, v10;
	v14 =	vld [tilespmem:s18+$0xFFFFFFB0];
	vm12 =	vmor vm12, vm13;
	v15 =	vnsel vm10, $0xFF800000, v22  }
0x2fa: {  	vm10 =	veq.f32 v13, v10;
	vm13 =	veq.f32 v11, v10;
	v17 =	vnsel vm12, $0xFF800000, v17;
	[tilespmem:s18+$0x40] =	vst v15  }
0x2fb: {  	vm2 =	vmand vm2, vm9;
	vm3 =	vmand vm3, vm11;
	vm9 =	veq.f32 v18, v10;
	[tilespmem:s22+$0x0] =	vst v17  }
0x2fc: {  	vm6 =	vmand vm6, vm10;
	vm7 =	vmand vm7, vm13;
	vm10 =	veq.f32 v19, v10  }
0x2fd: {  	vm4 =	vmand vm4, vm9;
	vm8 =	vmand vm8, vm10;
	vm9 =	veq.f32 v20, v10  }
0x2fe: {  	vm10 =	vgt.f32 v14, v10;
	vm11 =	veq.f32 v14, v10;
	vm5 =	vmand vm5, vm9  }
0x2ff: {  	vm9 =	vgt.f32 v12, v10;
	vm0 =	vmand vm0, vm11;
	vm11 =	vgt.f32 v13, v10  }
0x300: {  	vm12 =	vgt.f32 v11, v10;
	vm13 =	vgt.f32 v18, v10;
	vm14 =	vgt.f32 v19, v10  }
0x301: {  	vm1 =	vmor vm1, vm2;
	vm2 =	vgt.f32 v20, v10;
	vm0 =	vmor vm10, vm0  }
0x302: {  	vm7 =	vmor vm12, vm7;
	vm3 =	vmor vm9, vm3;
	vm6 =	vmor vm11, vm6  }
.Ltmp22:
0x303: {  	vm4 =	vmor vm13, vm4;
	vm8 =	vmor vm14, vm8;
	vm2 =	vmor vm2, vm5;
	(pc) =	sbr.rel @p0 .LBB2_34-.Ltmp22, $4  }
0x304: {  	v16 =	vnsel vm1, $0xFF800000, v16;
	v17 =	vnsel vm3, $0xFF800000, v12;
	v14 =	vnsel vm0, $0xFF800000, v14  }
0x305: {  	s24 =	sadd.s32 $0x20, s20;
	s23 =	sadd.s32 $0x10, s20;
	s22 =	sadd.s32 $0x30, s20;
	v12 =	vnsel vm4, $0xFF800000, v18;
	v15 =	vnsel vm6, $0xFF800000, v13;
	[tilespmem:s18+$0xFFFFFFB0] =	vst v14;
	v14 =	vnsel vm7, $0xFF800000, v11  }
0x306: {  	s26 =	sadd.s32 $0x40, s20;
	s28 =	sadd.s32 $0x50, s20;
	s25 =	sadd.s32 $0x60, s20;
	v18 =	vor.u32 s20, v0;
	v13 =	vnsel vm8, $0xFF800000, v19;
	v11 =	vnsel vm2, $0xFF800000, v20;
	[tilespmem:s18+$0xFFFFFFC0] =	vst v16  }
0x307: {  	s21 =	sadd.s32 $0x80, s19;
	s20 =	sadd.s32 $0xA0, s20;
	vm0 =	vle.s32 v18, v9;
	s18 =	sadd.s32 $0xA0, s18;
	[tilespmem:s17+$0xFFFFFFD0] =	vst v17  }
0x308: {  	v18 =	vld [tilespmem:s18+$0x40]  }
0x309: {  	s20 =	sand.u32 $0x3FF80, s21;
	s29 =	sand.u32 $0x60, s19;
	v16 =	vor.u32 s23, v0;
	v17 =	vor.u32 s24, v0;
	v19 =	vor.u32 s22, v0;
	v23 =	vld [tilespmem:s18+$0xFFFFFFC0]  }
0x30a: {  	v20 =	vor.u32 s26, v0;
	v21 =	vor.u32 s28, v0;
	v24 =	vor.u32 s25, v0;
	v59 =	vld [tilespmem:s18+$0x0];
	s20 =	sor.u32 s29, s20  }
0x30b: {  	s30 =	sadd.s32 $0x70, s19;
	v58 =	vor.u32 s21, v0;
	vm6 =	vle.s32 v16, v9;
	vm5 =	vle.s32 v17, v9;
	v22 =	vld [tilespmem:s20+$0x0]  }
0x30c: {  	s31 =	sadd.s32 $0x90, s19;
	v53 =	vor.u32 s30, v0;
	vm3 =	vle.s32 v19, v9;
	vm4 =	vle.s32 v20, v9  }
0x30d: {  	v60 =	vld [tilespmem:s18+$0x10];
	vm2 =	vle.s32 v21, v9;
	vm1 =	vle.s32 v24, v9;
	v56 =	vor.u32 s31, v0  }
0x30e: {  	v63 =	vld [tilespmem:s18+$0x20];
	vm11 =	vle.s32 v58, v9;
	vm7 =	vle.s32 v56, v9;
	vm9 =	veq.f32 v18, v10  }
0x30f: {  	v54 =	vld [tilespmem:s18+$0xFFFFFFD0];
	vm8 =	vgt.f32 v18, v10;
	vm14 =	veq.f32 v23, v10;
	vm7 =	vmand vm7, vm9  }
0x310: {  	v55 =	vld [tilespmem:s18+$0xFFFFFFE0];
	vm6 =	vmand vm6, vm14;
	vm14 =	veq.f32 v59, v10;
	vm10 =	veq.f32 v22, v10  }
0x311: {  	v57 =	vld [tilespmem:s18+$0xFFFFFFF0];
	vm12 =	vgt.f32 v22, v10;
	vm7 =	vmor vm8, vm7;
	vm8 =	vgt.f32 v23, v10  }
0x312: {  	vm2 =	vmand vm2, vm14;
	vm15 =	vmand vm11, vm10;
	vm11 =	vle.s32 v53, v9;
	v9 =	vld [tilespmem:s18+$0xFFFFFFB0]  }
0x313: {  	[tilespmem:s17+$0xFFFFFFE0] =	vst v15;
	vm14 =	vgt.f32 v63, v10;
	v61 =	vnsel vm7, $0xFF800000, v18;
	vm7 =	veq.f32 v60, v10  }
0x314: {  	[tilespmem:s17+$0xFFFFFFF0] =	vst v14;
	vm10 =	veq.f32 v63, v10;
	vm6 =	vmor vm8, vm6;
	vm13 =	vmor vm12, vm15  }
0x315: {  	[tilespmem:s17+$0x0] =	vst v12;
	vm15 =	veq.f32 v54, v10;
	vm12 =	veq.f32 v55, v10;
	vm1 =	vmand vm1, vm7  }
0x316: {  	[tilespmem:s17+$0x20] =	vst v11;
	vm7 =	vmand vm11, vm10;
	vm10 =	vgt.f32 v55, v10;
	v11 =	vnsel vm6, $0xFF800000, v23  }
0x317: {  	[tilespmem:s17+$0x10] =	vst v13;
	vm11 =	vgt.f32 v57, v10;
	v62 =	vnsel vm13, $0xFF800000, v22;
	vm9 =	veq.f32 v9, v10  }
0x318: {  	[tilespmem:s18+$0x40] =	vst v61;
	vm3 =	vmand vm3, vm12;
	vm12 =	vgt.f32 v9, v10;
	vm0 =	vmand vm0, vm9  }
0x319: {  	vm5 =	vmand vm5, vm15;
	vm15 =	vgt.f32 v54, v10;
	[tilespmem:s18+$0xFFFFFFC0] =	vst v11;
	vm0 =	vmor vm12, vm0  }
0x31a: {  	vm13 =	veq.f32 v57, v10;
	[tilespmem:s20+$0x0] =	vst v62;
	vm5 =	vmor vm15, vm5;
	v9 =	vnsel vm0, $0xFF800000, v9  }
0x31b: {  	vm12 =	vgt.f32 v59, v10;
	vm0 =	vmor vm10, vm3;
	[tilespmem:s18+$0xFFFFFFB0] =	vst v9;
	v9 =	vnsel vm5, $0xFF800000, v54  }
0x31c: {  	vm4 =	vmand vm4, vm13;
	vm2 =	vmor vm12, vm2;
	v11 =	vnsel vm0, $0xFF800000, v55;
	[tilespmem:s18+$0xFFFFFFD0] =	vst v9  }
.Ltmp23:
0x31d: {  	vm13 =	vgt.f32 v60, v10;
	vm4 =	vmor vm11, vm4;
	v10 =	vnsel vm2, $0xFF800000, v59;
	[tilespmem:s18+$0xFFFFFFE0] =	vst v11;
	(pc) =	sbr.rel .LBB2_36-.Ltmp23, $4  }
0x31e: {  	vm15 =	vmor vm14, vm7;
	v9 =	vnsel vm4, $0xFF800000, v57;
	[tilespmem:s18+$0x0] =	vst v10  }
0x31f: {  	vm0 =	vmor vm13, vm1;
	v10 =	vnsel vm15, $0xFF800000, v63;
	[tilespmem:s18+$0xFFFFFFF0] =	vst v9  }
0x320: {  	v9 =	vnsel vm0, $0xFF800000, v60;
	[tilespmem:s18+$0x20] =	vst v10  }
0x321: {  	[tilespmem:s18+$0x10] =	vst v9  }
.LBB2_38:
0x322: {  	_ =	sfence.sel $0x180000  }
0x323: {  	[bflag:$0x0] =	sbarrier.arrive $0xFFFF  }
0x324: {  	p0 =	sne.s32 s2, $0x0;
	_ =	strace $0x90000047  }
0x325: {  	s0 =	sadd.s32 @!p0 $0x100000, s0;
	[bflag:$0x2] =	sbarrier.arrive $0xFFFF  }
0x326: {  	[sflag:s0] =	ssyncadd.tile.s32 @!p0 $0x1;
	_ =	shalt  }
.Lfunc_end2:
_tile_overlayer_lowered:
.L_overlay_start_2:
0x327: {  	(tag) =	ssettag $0x2  }
0x328: {  	s0 =	rddreg [dreg:$0x0];
	s2 =	stileid.u32  }
0x329: {  	s1 =	rddreg [dreg:$0x1];
	p0 =	sne.s32 s2, $0x0  }
0x32a: {  	s3 =	rddreg [dreg:$0x2];
	[bflag:$0x3] =	sbarrier.arrive $0xFFFF;
	s2 =	simm.s32 @!p0 $0x1C01  }
0x32b: {  	[timem:s3], [sflag:s2] =	dma.local @!p0 [hbm:s0], s1  }
0x32c: {  	s0 =	simm.s32 @!p0 $0x1  }
0x32d: {  	_ =	swait.ge @!p0 [sflag:s0], s1  }
0x32e: {  	s1 =	ssub.s32 @!p0 $0x0, s1;
	[sflag:s0] =	ssyncset.done @!p0 $0x0  }
0x32f: {  	[sflag:s0] =	ssyncadd.s32 @!p0 s1  }
0x330: {  	[bflag:$0x3] =	sbarrier.arrive $0xFFFF  }
0x331: {  	_ =	shalt  }

</sc_bundles>
